<compile_context>
chip_gen: v7x
topology: tpu7x:2x2x1
jax: 0.10.2.dev20260603
libtpu: 0.0.44.dev20260713+nightly
codegen_flags: <defaults>
</compile_context>

<pallas_src>
import functools

import jax
import jax.numpy as jnp
from jax import lax
from jax.experimental import pallas as pl
from jax.experimental.pallas import tpu as pltpu
from jax.experimental.pallas import tpu_sc as plsc

_NC = 2
_NS = 16
_NW = _NC * _NS
_LANES = 16


@functools.cache
def _build(B, C, H, W, interpret=False):
    HW = H * W
    P = B * HW
    assert P % _NW == 0
    per_w = P // _NW
    assert HW % per_w == 0, "each worker must stay within one batch"
    wpb = HW // per_w
    BLK = min(2048, per_w)
    assert per_w % BLK == 0 and BLK % 128 == 0
    NBLK = per_w // BLK
    NI = BLK // 128
    boff_unit = (C - 1) * HW

    mesh = plsc.VectorSubcoreMesh(
        core_axis_name="c", subcore_axis_name="s",
        num_cores=_NC, num_subcores=_NS)

    @functools.partial(
        pl.kernel,
        out_type=jax.ShapeDtypeStruct((_NW, _LANES), jnp.float32),
        mesh=mesh,
        scratch_types=[
            pltpu.VMEM((BLK,), jnp.int32),
            pltpu.VMEM((BLK,), jnp.float32),
            pltpu.VMEM((NI, 128), jnp.int32),
            pltpu.VMEM((NI, 128), jnp.float32),
            pltpu.VMEM((_LANES,), jnp.float32),
            pltpu.SemaphoreType.DMA,
        ],
        interpret=interpret,
    )
    def sc_kernel(z_hbm, l_hbm, c_hbm, out_hbm, l_v, c_v, idx_v, val_v,
                  acc_v, sem):
        wid = lax.axis_index("s") * _NC + lax.axis_index("c")
        base = wid * per_w
        b = wid // wpb
        boff = b * boff_unit
        iota = lax.iota(jnp.int32, _LANES)

        def block(i, acc):
            bb = base + i * BLK
            pltpu.sync_copy(l_hbm.at[pl.ds(bb, BLK)], l_v)
            pltpu.sync_copy(c_hbm.at[pl.ds(bb, BLK)], c_v)

            def ix(j, carry):
                lv = l_v[pl.ds(j * _LANES, _LANES)]
                pix = bb + boff + j * _LANES
                idx_v[j // 8, pl.ds((j % 8) * _LANES, _LANES)] = (
                    lv * HW + (iota + pix))
                return carry

            lax.fori_loop(0, BLK // _LANES, ix, 0, unroll=4)

            cps = [pltpu.async_copy(z_hbm.at[idx_v.at[r]], val_v.at[r], sem)
                   for r in range(NI)]
            for cp in cps:
                cp.wait()

            def ac(j, a):
                v = val_v[j // 8, pl.ds((j % 8) * _LANES, _LANES)]
                m = c_v[pl.ds(j * _LANES, _LANES)]
                return a + v * m

            return lax.fori_loop(0, BLK // _LANES, ac, acc, unroll=4)

        acc = lax.fori_loop(0, NBLK, block, jnp.zeros((_LANES,), jnp.float32))
        acc_v[...] = acc
        pltpu.sync_copy(acc_v, out_hbm.at[wid])

    return sc_kernel


def kernel(z, condition, l):
    B, C, H, W = z.shape
    zf = z.reshape(-1)
    lf = l.astype(jnp.int32).reshape(-1)
    cf = condition.reshape(-1).astype(jnp.float32)
    partials = _build(B, C, H, W)(zf, lf, cf)
    return jnp.sum(partials)

# --- scband reference (transcript-rebuilt; emitter-appended) ---
"""Pipeline reference for scband-untargeted-loss-22402549416097 (READ-ONLY COPY).

The authoritative reference and input builder live on the scoring server;
editing this copy changes nothing except your own understanding.
"""

import jax, jax.numpy as jnp
import numpy as np

B, C, H, W = 4, 96, 512, 512

def setup_inputs(seed: int = 0) -> dict:
    key = jax.random.key(seed)
    k1, k2, k3 = jax.random.split(key, 3)
    z = jax.random.normal(k1, (B, C, H, W), dtype=jnp.float32)
    condition = jax.random.randint(k2, (B, H, W), 0, 2).astype(bool)
    l = jax.random.randint(k3, (B, H, W), 0, C).astype(jnp.int64)
    return {"z": z, "condition": condition, "l": l}

def reference(z, condition, l):
    # torch: indices = where(condition); z_good = z[i0, l[indices], i1, i2]; sum(z_good)
    # Equivalent static-shape form: gather per-pixel class logit by label l, then
    # sum only where condition is True.
    gathered = jnp.take_along_axis(z, l[:, None, :, :], axis=1)[:, 0, :, :]
    loss = jnp.sum(jnp.where(condition, gathered, jnp.zeros_like(gathered)))
    return loss

if __name__ == "__main__":
    import jax
    _d = setup_inputs()
    print(jax.jit(kernel)(*tuple(_d.values())))

</pallas_src>

<mosaic_0001>
#map = affine_map<(d0, d1) -> (0)>
#map1 = affine_map<(d0, d1) -> (0, 0)>
module attributes {stable_mosaic.version = 14 : i64} {
  func.func @sc_kernel(%arg0: i32, %arg1: i32, %arg2: memref<100663296xf32, #tpu.memory_space<hbm>>, %arg3: memref<1048576xi32, #tpu.memory_space<hbm>>, %arg4: memref<1048576xf32, #tpu.memory_space<hbm>>, %arg5: memref<32x16xf32, #tpu.memory_space<hbm>>, %arg6: memref<2048xi32, #tpu.memory_space<vmem>>, %arg7: memref<2048xf32, #tpu.memory_space<vmem>>, %arg8: memref<16x128xi32, #tpu.memory_space<vmem>>, %arg9: memref<16x128xf32, #tpu.memory_space<vmem>>, %arg10: memref<16xf32, #tpu.memory_space<vmem>>, %arg11: memref<!tpu.dma_semaphore, #tpu.memory_space<semaphore_mem>>) attributes {dimension_semantics = [#tpu.dimension_semantics<core_parallel>, #tpu.dimension_semantics<subcore_parallel>], iteration_bounds = array<i64: 2, 16>, scalar_prefetch = 0 : i64, scratch_operands = 6 : i64, tpu.core_type = #tpu.core_type<sc_vector_subcore>, window_params = [{transform_indices = #map}, {transform_indices = #map}, {transform_indices = #map}, {transform_indices = #map1}]} {
    %mul3A = arith.constant 2 : i32
    %mul3A_0 = arith.muli %arg1, %mul3A : i32
    %add3A = arith.addi %mul3A_0, %arg0 : i32
    %mul3A_1 = arith.constant 32768 : i32
    %mul3A_2 = arith.muli %add3A, %mul3A_1 : i32
    %jit3A = arith.constant 8 : i32
    %div3A = arith.divsi %add3A, %jit3A : i32
    %sign3A = arith.constant 0 : i32
    %sign3A_3 = arith.cmpi sgt, %add3A, %sign3A : i32
    %sign3A_4 = arith.extui %sign3A_3 : i1 to i32
    %sign3A_5 = arith.constant 0 : i32
    %sign3A_6 = arith.cmpi slt, %add3A, %sign3A_5 : i32
    %sign3A_7 = arith.extui %sign3A_6 : i1 to i32
    %sign3A_8 = arith.subi %sign3A_4, %sign3A_7 : i32
    %sign3A_9 = arith.constant 0 : i32
    %sign3A_10 = arith.cmpi sgt, %jit3A, %sign3A_9 : i32
    %sign3A_11 = arith.extui %sign3A_10 : i1 to i32
    %sign3A_12 = arith.constant 0 : i32
    %sign3A_13 = arith.cmpi slt, %jit3A, %sign3A_12 : i32
    %sign3A_14 = arith.extui %sign3A_13 : i1 to i32
    %sign3A_15 = arith.subi %sign3A_11, %sign3A_14 : i32
    %ne3A = arith.cmpi ne, %sign3A_8, %sign3A_15 : i32
    %rem3A = arith.remsi %add3A, %jit3A : i32
    %ne3A_16 = arith.constant 0 : i32
    %ne3A_17 = arith.cmpi ne, %rem3A, %ne3A_16 : i32
    %and3A = arith.andi %ne3A, %ne3A_17 : i1
    %sub3A = arith.constant 1 : i32
    %sub3A_18 = arith.subi %div3A, %sub3A : i32
    %select_n3A = arith.select %and3A, %sub3A_18, %div3A : i32
    %mul3A_19 = arith.constant 24903680 : i32
    %mul3A_20 = arith.muli %select_n3A, %mul3A_19 : i32
    %iota3A = tpu.iota {dimensions = array<i32: 0>} : vector<16xi32>
    %broadcast_in_dim3A = arith.constant 0.000000e+00 : f32
    %broadcast_in_dim3A_21 = vector.broadcast %broadcast_in_dim3A : f32 to vector<16xf32>
    %scan3A = arith.constant 0 : i32
    %scan3A_22 = arith.constant 16 : i32
    %scan3A_23 = arith.addi %scan3A, %scan3A_22 : i32
    %scan3A_24 = arith.constant 1 : i32
    %scan3A_25 = scf.for %scan3A_30 = %scan3A to %scan3A_23 step %scan3A_24 iter_args(%scan3A_31 = %broadcast_in_dim3A_21) -> (vector<16xf32>)  : i32 {
      %mul3A_32 = arith.constant 2048 : i32
      %mul3A_33 = arith.muli %scan3A_30, %mul3A_32 : i32
      %add3A_34 = arith.addi %mul3A_2, %mul3A_33 : i32
      "tpu.region"() ({
        %run_scoped3A = tpu.sem_alloc : memref<!tpu.dma_semaphore, #tpu.memory_space<semaphore_mem>>
        %dma_start3A_365 = tpu.memref_slice %arg3[%add3A_34] : memref<1048576xi32, #tpu.memory_space<hbm>> -> memref<2048xi32, #tpu.memory_space<hbm>>
        %dma_start3A_366 = tpu.memref_slice %arg3[%add3A_34] : memref<1048576xi32, #tpu.memory_space<hbm>> -> memref<2048xi32, #tpu.memory_space<hbm>>
        tpu.enqueue_dma source(%dma_start3A_366 : memref<2048xi32, #tpu.memory_space<hbm>>) target(%arg6 : memref<2048xi32, #tpu.memory_space<vmem>>) target_semaphore(%run_scoped3A : memref<!tpu.dma_semaphore, #tpu.memory_space<semaphore_mem>>)
        %dma_wait3A_367 = tpu.memref_slice %arg3[%add3A_34] : memref<1048576xi32, #tpu.memory_space<hbm>> -> memref<2048xi32, #tpu.memory_space<hbm>>
        %dma_wait3A_368 = tpu.memref_slice %arg3[%add3A_34] : memref<1048576xi32, #tpu.memory_space<hbm>> -> memref<2048xi32, #tpu.memory_space<hbm>>
        tpu.wait_dma2 semaphore(%run_scoped3A : memref<!tpu.dma_semaphore, #tpu.memory_space<semaphore_mem>>) src(%dma_wait3A_368 : memref<2048xi32, #tpu.memory_space<hbm>>) dst(%arg6 : memref<2048xi32, #tpu.memory_space<vmem>>)
        tpu.yield
      }) : () -> ()
      "tpu.region"() ({
        %run_scoped3A = tpu.sem_alloc : memref<!tpu.dma_semaphore, #tpu.memory_space<semaphore_mem>>
        %dma_start3A_365 = tpu.memref_slice %arg4[%add3A_34] : memref<1048576xf32, #tpu.memory_space<hbm>> -> memref<2048xf32, #tpu.memory_space<hbm>>
        %dma_start3A_366 = tpu.memref_slice %arg4[%add3A_34] : memref<1048576xf32, #tpu.memory_space<hbm>> -> memref<2048xf32, #tpu.memory_space<hbm>>
        tpu.enqueue_dma source(%dma_start3A_366 : memref<2048xf32, #tpu.memory_space<hbm>>) target(%arg7 : memref<2048xf32, #tpu.memory_space<vmem>>) target_semaphore(%run_scoped3A : memref<!tpu.dma_semaphore, #tpu.memory_space<semaphore_mem>>)
        %dma_wait3A_367 = tpu.memref_slice %arg4[%add3A_34] : memref<1048576xf32, #tpu.memory_space<hbm>> -> memref<2048xf32, #tpu.memory_space<hbm>>
        %dma_wait3A_368 = tpu.memref_slice %arg4[%add3A_34] : memref<1048576xf32, #tpu.memory_space<hbm>> -> memref<2048xf32, #tpu.memory_space<hbm>>
        tpu.wait_dma2 semaphore(%run_scoped3A : memref<!tpu.dma_semaphore, #tpu.memory_space<semaphore_mem>>) src(%dma_wait3A_368 : memref<2048xf32, #tpu.memory_space<hbm>>) dst(%arg7 : memref<2048xf32, #tpu.memory_space<vmem>>)
        tpu.yield
      }) : () -> ()
      %scan3A_35 = arith.constant 0 : i32
      %scan3A_36 = arith.constant 0 : i32
      %scan3A_37 = arith.constant 128 : i32
      %scan3A_38 = arith.addi %scan3A_36, %scan3A_37 : i32
      %scan3A_39 = arith.constant 4 : i32
      scf.for %scan3A_365 = %scan3A_36 to %scan3A_38 step %scan3A_39  : i32 {
        %mul3A_366 = arith.constant 16 : i32
        %mul3A_367 = arith.muli %scan3A_365, %mul3A_366 : i32
        %get3A = arith.index_cast %mul3A_367 : i32 to index
        %get3A_368 = tpu.vector_load %arg6[%get3A] {strides = array<i32>} : memref<2048xi32, #tpu.memory_space<vmem>>, vector<16xi32>,
        %get3A_369 = vector.shape_cast %get3A_368 : vector<16xi32> to vector<16xi32>
        %add3A_370 = arith.addi %add3A_34, %mul3A_20 : i32
        %mul3A_371 = arith.constant 16 : i32
        %mul3A_372 = arith.muli %scan3A_365, %mul3A_371 : i32
        %add3A_373 = arith.addi %add3A_370, %mul3A_372 : i32
        %mul3A_374 = arith.constant 262144 : i32
        %mul3A_375 = vector.broadcast %mul3A_374 : i32 to vector<16xi32>
        %mul3A_376 = arith.muli %get3A_369, %mul3A_375 : vector<16xi32>
        %add3A_377 = vector.broadcast %add3A_373 : i32 to vector<16xi32>
        %add3A_378 = arith.addi %iota3A, %add3A_377 : vector<16xi32>
        %add3A_379 = arith.addi %mul3A_376, %add3A_378 : vector<16xi32>
        %jit3A_380 = arith.constant 8 : i32
        %div3A_381 = arith.divsi %scan3A_365, %jit3A_380 : i32
        %sign3A_382 = arith.constant 0 : i32
        %sign3A_383 = arith.cmpi sgt, %scan3A_365, %sign3A_382 : i32
        %sign3A_384 = arith.extui %sign3A_383 : i1 to i32
        %sign3A_385 = arith.constant 0 : i32
        %sign3A_386 = arith.cmpi slt, %scan3A_365, %sign3A_385 : i32
        %sign3A_387 = arith.extui %sign3A_386 : i1 to i32
        %sign3A_388 = arith.subi %sign3A_384, %sign3A_387 : i32
        %sign3A_389 = arith.constant 0 : i32
        %sign3A_390 = arith.cmpi sgt, %jit3A_380, %sign3A_389 : i32
        %sign3A_391 = arith.extui %sign3A_390 : i1 to i32
        %sign3A_392 = arith.constant 0 : i32
        %sign3A_393 = arith.cmpi slt, %jit3A_380, %sign3A_392 : i32
        %sign3A_394 = arith.extui %sign3A_393 : i1 to i32
        %sign3A_395 = arith.subi %sign3A_391, %sign3A_394 : i32
        %ne3A_396 = arith.cmpi ne, %sign3A_388, %sign3A_395 : i32
        %rem3A_397 = arith.remsi %scan3A_365, %jit3A_380 : i32
        %ne3A_398 = arith.constant 0 : i32
        %ne3A_399 = arith.cmpi ne, %rem3A_397, %ne3A_398 : i32
        %and3A_400 = arith.andi %ne3A_396, %ne3A_399 : i1
        %sub3A_401 = arith.constant 1 : i32
        %sub3A_402 = arith.subi %div3A_381, %sub3A_401 : i32
        %select_n3A_403 = arith.select %and3A_400, %sub3A_402, %div3A_381 : i32
        %jit3A_404 = arith.constant 8 : i32
        %eq3A = arith.constant 0 : i32
        %eq3A_405 = arith.cmpi eq, %jit3A_404, %eq3A : i32
        %jit3A_406 = arith.constant 1 : i32
        %select_n3A_407 = arith.select %eq3A_405, %jit3A_406, %jit3A_404 : i32
        %rem3A_408 = arith.remsi %scan3A_365, %select_n3A_407 : i32
        %ne3A_409 = arith.constant 0 : i32
        %ne3A_410 = arith.cmpi ne, %rem3A_408, %ne3A_409 : i32
        %lt3A = arith.constant 0 : i32
        %lt3A_411 = arith.cmpi slt, %rem3A_408, %lt3A : i32
        %lt3A_412 = arith.constant 0 : i32
        %lt3A_413 = arith.cmpi slt, %select_n3A_407, %lt3A_412 : i32
        %ne3A_414 = arith.xori %lt3A_411, %lt3A_413 : i1
        %and3A_415 = arith.andi %ne3A_414, %ne3A_410 : i1
        %add3A_416 = arith.addi %rem3A_408, %select_n3A_407 : i32
        %select_n3A_417 = arith.select %and3A_415, %add3A_416, %rem3A_408 : i32
        %mul3A_418 = arith.constant 16 : i32
        %mul3A_419 = arith.muli %select_n3A_417, %mul3A_418 : i32
        %swap3A_420 = arith.index_cast %select_n3A_403 : i32 to index
        %swap3A_421 = arith.index_cast %mul3A_419 : i32 to index
        %swap3A_422 = tpu.vector_load %arg8[%swap3A_420, %swap3A_421] {strides = array<i32>} : memref<16x128xi32, #tpu.memory_space<vmem>>, vector<1x16xi32>,
        %swap3A_423 = vector.shape_cast %swap3A_422 : vector<1x16xi32> to vector<16xi32>
        %swap3A_424 = vector.shape_cast %add3A_379 : vector<16xi32> to vector<1x16xi32>
        tpu.vector_store %arg8[%swap3A_420, %swap3A_421], %swap3A_424 {strides = array<i32>} : memref<16x128xi32, #tpu.memory_space<vmem>>, vector<1x16xi32>,
        %scan3A_425 = arith.constant 1 : i32
        %scan3A_426 = arith.addi %scan3A_365, %scan3A_425 : i32
        %mul3A_427 = arith.constant 16 : i32
        %mul3A_428 = arith.muli %scan3A_426, %mul3A_427 : i32
        %get3A_429 = arith.index_cast %mul3A_428 : i32 to index
        %get3A_430 = tpu.vector_load %arg6[%get3A_429] {strides = array<i32>} : memref<2048xi32, #tpu.memory_space<vmem>>, vector<16xi32>,
        %get3A_431 = vector.shape_cast %get3A_430 : vector<16xi32> to vector<16xi32>
        %add3A_432 = arith.addi %add3A_34, %mul3A_20 : i32
        %mul3A_433 = arith.constant 16 : i32
        %mul3A_434 = arith.muli %scan3A_426, %mul3A_433 : i32
        %add3A_435 = arith.addi %add3A_432, %mul3A_434 : i32
        %mul3A_436 = arith.constant 262144 : i32
        %mul3A_437 = vector.broadcast %mul3A_436 : i32 to vector<16xi32>
        %mul3A_438 = arith.muli %get3A_431, %mul3A_437 : vector<16xi32>
        %add3A_439 = vector.broadcast %add3A_435 : i32 to vector<16xi32>
        %add3A_440 = arith.addi %iota3A, %add3A_439 : vector<16xi32>
        %add3A_441 = arith.addi %mul3A_438, %add3A_440 : vector<16xi32>
        %jit3A_442 = arith.constant 8 : i32
        %div3A_443 = arith.divsi %scan3A_426, %jit3A_442 : i32
        %sign3A_444 = arith.constant 0 : i32
        %sign3A_445 = arith.cmpi sgt, %scan3A_426, %sign3A_444 : i32
        %sign3A_446 = arith.extui %sign3A_445 : i1 to i32
        %sign3A_447 = arith.constant 0 : i32
        %sign3A_448 = arith.cmpi slt, %scan3A_426, %sign3A_447 : i32
        %sign3A_449 = arith.extui %sign3A_448 : i1 to i32
        %sign3A_450 = arith.subi %sign3A_446, %sign3A_449 : i32
        %sign3A_451 = arith.constant 0 : i32
        %sign3A_452 = arith.cmpi sgt, %jit3A_442, %sign3A_451 : i32
        %sign3A_453 = arith.extui %sign3A_452 : i1 to i32
        %sign3A_454 = arith.constant 0 : i32
        %sign3A_455 = arith.cmpi slt, %jit3A_442, %sign3A_454 : i32
        %sign3A_456 = arith.extui %sign3A_455 : i1 to i32
        %sign3A_457 = arith.subi %sign3A_453, %sign3A_456 : i32
        %ne3A_458 = arith.cmpi ne, %sign3A_450, %sign3A_457 : i32
        %rem3A_459 = arith.remsi %scan3A_426, %jit3A_442 : i32
        %ne3A_460 = arith.constant 0 : i32
        %ne3A_461 = arith.cmpi ne, %rem3A_459, %ne3A_460 : i32
        %and3A_462 = arith.andi %ne3A_458, %ne3A_461 : i1
        %sub3A_463 = arith.constant 1 : i32
        %sub3A_464 = arith.subi %div3A_443, %sub3A_463 : i32
        %select_n3A_465 = arith.select %and3A_462, %sub3A_464, %div3A_443 : i32
        %jit3A_466 = arith.constant 8 : i32
        %eq3A_467 = arith.constant 0 : i32
        %eq3A_468 = arith.cmpi eq, %jit3A_466, %eq3A_467 : i32
        %jit3A_469 = arith.constant 1 : i32
        %select_n3A_470 = arith.select %eq3A_468, %jit3A_469, %jit3A_466 : i32
        %rem3A_471 = arith.remsi %scan3A_426, %select_n3A_470 : i32
        %ne3A_472 = arith.constant 0 : i32
        %ne3A_473 = arith.cmpi ne, %rem3A_471, %ne3A_472 : i32
        %lt3A_474 = arith.constant 0 : i32
        %lt3A_475 = arith.cmpi slt, %rem3A_471, %lt3A_474 : i32
        %lt3A_476 = arith.constant 0 : i32
        %lt3A_477 = arith.cmpi slt, %select_n3A_470, %lt3A_476 : i32
        %ne3A_478 = arith.xori %lt3A_475, %lt3A_477 : i1
        %and3A_479 = arith.andi %ne3A_478, %ne3A_473 : i1
        %add3A_480 = arith.addi %rem3A_471, %select_n3A_470 : i32
        %select_n3A_481 = arith.select %and3A_479, %add3A_480, %rem3A_471 : i32
        %mul3A_482 = arith.constant 16 : i32
        %mul3A_483 = arith.muli %select_n3A_481, %mul3A_482 : i32
        %swap3A_484 = arith.index_cast %select_n3A_465 : i32 to index
        %swap3A_485 = arith.index_cast %mul3A_483 : i32 to index
        %swap3A_486 = tpu.vector_load %arg8[%swap3A_484, %swap3A_485] {strides = array<i32>} : memref<16x128xi32, #tpu.memory_space<vmem>>, vector<1x16xi32>,
        %swap3A_487 = vector.shape_cast %swap3A_486 : vector<1x16xi32> to vector<16xi32>
        %swap3A_488 = vector.shape_cast %add3A_441 : vector<16xi32> to vector<1x16xi32>
        tpu.vector_store %arg8[%swap3A_484, %swap3A_485], %swap3A_488 {strides = array<i32>} : memref<16x128xi32, #tpu.memory_space<vmem>>, vector<1x16xi32>,
        %scan3A_489 = arith.constant 2 : i32
        %scan3A_490 = arith.addi %scan3A_365, %scan3A_489 : i32
        %mul3A_491 = arith.constant 16 : i32
        %mul3A_492 = arith.muli %scan3A_490, %mul3A_491 : i32
        %get3A_493 = arith.index_cast %mul3A_492 : i32 to index
        %get3A_494 = tpu.vector_load %arg6[%get3A_493] {strides = array<i32>} : memref<2048xi32, #tpu.memory_space<vmem>>, vector<16xi32>,
        %get3A_495 = vector.shape_cast %get3A_494 : vector<16xi32> to vector<16xi32>
        %add3A_496 = arith.addi %add3A_34, %mul3A_20 : i32
        %mul3A_497 = arith.constant 16 : i32
        %mul3A_498 = arith.muli %scan3A_490, %mul3A_497 : i32
        %add3A_499 = arith.addi %add3A_496, %mul3A_498 : i32
        %mul3A_500 = arith.constant 262144 : i32
        %mul3A_501 = vector.broadcast %mul3A_500 : i32 to vector<16xi32>
        %mul3A_502 = arith.muli %get3A_495, %mul3A_501 : vector<16xi32>
        %add3A_503 = vector.broadcast %add3A_499 : i32 to vector<16xi32>
        %add3A_504 = arith.addi %iota3A, %add3A_503 : vector<16xi32>
        %add3A_505 = arith.addi %mul3A_502, %add3A_504 : vector<16xi32>
        %jit3A_506 = arith.constant 8 : i32
        %div3A_507 = arith.divsi %scan3A_490, %jit3A_506 : i32
        %sign3A_508 = arith.constant 0 : i32
        %sign3A_509 = arith.cmpi sgt, %scan3A_490, %sign3A_508 : i32
        %sign3A_510 = arith.extui %sign3A_509 : i1 to i32
        %sign3A_511 = arith.constant 0 : i32
        %sign3A_512 = arith.cmpi slt, %scan3A_490, %sign3A_511 : i32
        %sign3A_513 = arith.extui %sign3A_512 : i1 to i32
        %sign3A_514 = arith.subi %sign3A_510, %sign3A_513 : i32
        %sign3A_515 = arith.constant 0 : i32
        %sign3A_516 = arith.cmpi sgt, %jit3A_506, %sign3A_515 : i32
        %sign3A_517 = arith.extui %sign3A_516 : i1 to i32
        %sign3A_518 = arith.constant 0 : i32
        %sign3A_519 = arith.cmpi slt, %jit3A_506, %sign3A_518 : i32
        %sign3A_520 = arith.extui %sign3A_519 : i1 to i32
        %sign3A_521 = arith.subi %sign3A_517, %sign3A_520 : i32
        %ne3A_522 = arith.cmpi ne, %sign3A_514, %sign3A_521 : i32
        %rem3A_523 = arith.remsi %scan3A_490, %jit3A_506 : i32
        %ne3A_524 = arith.constant 0 : i32
        %ne3A_525 = arith.cmpi ne, %rem3A_523, %ne3A_524 : i32
        %and3A_526 = arith.andi %ne3A_522, %ne3A_525 : i1
        %sub3A_527 = arith.constant 1 : i32
        %sub3A_528 = arith.subi %div3A_507, %sub3A_527 : i32
        %select_n3A_529 = arith.select %and3A_526, %sub3A_528, %div3A_507 : i32
        %jit3A_530 = arith.constant 8 : i32
        %eq3A_531 = arith.constant 0 : i32
        %eq3A_532 = arith.cmpi eq, %jit3A_530, %eq3A_531 : i32
        %jit3A_533 = arith.constant 1 : i32
        %select_n3A_534 = arith.select %eq3A_532, %jit3A_533, %jit3A_530 : i32
        %rem3A_535 = arith.remsi %scan3A_490, %select_n3A_534 : i32
        %ne3A_536 = arith.constant 0 : i32
        %ne3A_537 = arith.cmpi ne, %rem3A_535, %ne3A_536 : i32
        %lt3A_538 = arith.constant 0 : i32
        %lt3A_539 = arith.cmpi slt, %rem3A_535, %lt3A_538 : i32
        %lt3A_540 = arith.constant 0 : i32
        %lt3A_541 = arith.cmpi slt, %select_n3A_534, %lt3A_540 : i32
        %ne3A_542 = arith.xori %lt3A_539, %lt3A_541 : i1
        %and3A_543 = arith.andi %ne3A_542, %ne3A_537 : i1
        %add3A_544 = arith.addi %rem3A_535, %select_n3A_534 : i32
        %select_n3A_545 = arith.select %and3A_543, %add3A_544, %rem3A_535 : i32
        %mul3A_546 = arith.constant 16 : i32
        %mul3A_547 = arith.muli %select_n3A_545, %mul3A_546 : i32
        %swap3A_548 = arith.index_cast %select_n3A_529 : i32 to index
        %swap3A_549 = arith.index_cast %mul3A_547 : i32 to index
        %swap3A_550 = tpu.vector_load %arg8[%swap3A_548, %swap3A_549] {strides = array<i32>} : memref<16x128xi32, #tpu.memory_space<vmem>>, vector<1x16xi32>,
        %swap3A_551 = vector.shape_cast %swap3A_550 : vector<1x16xi32> to vector<16xi32>
        %swap3A_552 = vector.shape_cast %add3A_505 : vector<16xi32> to vector<1x16xi32>
        tpu.vector_store %arg8[%swap3A_548, %swap3A_549], %swap3A_552 {strides = array<i32>} : memref<16x128xi32, #tpu.memory_space<vmem>>, vector<1x16xi32>,
        %scan3A_553 = arith.constant 3 : i32
        %scan3A_554 = arith.addi %scan3A_365, %scan3A_553 : i32
        %mul3A_555 = arith.constant 16 : i32
        %mul3A_556 = arith.muli %scan3A_554, %mul3A_555 : i32
        %get3A_557 = arith.index_cast %mul3A_556 : i32 to index
        %get3A_558 = tpu.vector_load %arg6[%get3A_557] {strides = array<i32>} : memref<2048xi32, #tpu.memory_space<vmem>>, vector<16xi32>,
        %get3A_559 = vector.shape_cast %get3A_558 : vector<16xi32> to vector<16xi32>
        %add3A_560 = arith.addi %add3A_34, %mul3A_20 : i32
        %mul3A_561 = arith.constant 16 : i32
        %mul3A_562 = arith.muli %scan3A_554, %mul3A_561 : i32
        %add3A_563 = arith.addi %add3A_560, %mul3A_562 : i32
        %mul3A_564 = arith.constant 262144 : i32
        %mul3A_565 = vector.broadcast %mul3A_564 : i32 to vector<16xi32>
        %mul3A_566 = arith.muli %get3A_559, %mul3A_565 : vector<16xi32>
        %add3A_567 = vector.broadcast %add3A_563 : i32 to vector<16xi32>
        %add3A_568 = arith.addi %iota3A, %add3A_567 : vector<16xi32>
        %add3A_569 = arith.addi %mul3A_566, %add3A_568 : vector<16xi32>
        %jit3A_570 = arith.constant 8 : i32
        %div3A_571 = arith.divsi %scan3A_554, %jit3A_570 : i32
        %sign3A_572 = arith.constant 0 : i32
        %sign3A_573 = arith.cmpi sgt, %scan3A_554, %sign3A_572 : i32
        %sign3A_574 = arith.extui %sign3A_573 : i1 to i32
        %sign3A_575 = arith.constant 0 : i32
        %sign3A_576 = arith.cmpi slt, %scan3A_554, %sign3A_575 : i32
        %sign3A_577 = arith.extui %sign3A_576 : i1 to i32
        %sign3A_578 = arith.subi %sign3A_574, %sign3A_577 : i32
        %sign3A_579 = arith.constant 0 : i32
        %sign3A_580 = arith.cmpi sgt, %jit3A_570, %sign3A_579 : i32
        %sign3A_581 = arith.extui %sign3A_580 : i1 to i32
        %sign3A_582 = arith.constant 0 : i32
        %sign3A_583 = arith.cmpi slt, %jit3A_570, %sign3A_582 : i32
        %sign3A_584 = arith.extui %sign3A_583 : i1 to i32
        %sign3A_585 = arith.subi %sign3A_581, %sign3A_584 : i32
        %ne3A_586 = arith.cmpi ne, %sign3A_578, %sign3A_585 : i32
        %rem3A_587 = arith.remsi %scan3A_554, %jit3A_570 : i32
        %ne3A_588 = arith.constant 0 : i32
        %ne3A_589 = arith.cmpi ne, %rem3A_587, %ne3A_588 : i32
        %and3A_590 = arith.andi %ne3A_586, %ne3A_589 : i1
        %sub3A_591 = arith.constant 1 : i32
        %sub3A_592 = arith.subi %div3A_571, %sub3A_591 : i32
        %select_n3A_593 = arith.select %and3A_590, %sub3A_592, %div3A_571 : i32
        %jit3A_594 = arith.constant 8 : i32
        %eq3A_595 = arith.constant 0 : i32
        %eq3A_596 = arith.cmpi eq, %jit3A_594, %eq3A_595 : i32
        %jit3A_597 = arith.constant 1 : i32
        %select_n3A_598 = arith.select %eq3A_596, %jit3A_597, %jit3A_594 : i32
        %rem3A_599 = arith.remsi %scan3A_554, %select_n3A_598 : i32
        %ne3A_600 = arith.constant 0 : i32
        %ne3A_601 = arith.cmpi ne, %rem3A_599, %ne3A_600 : i32
        %lt3A_602 = arith.constant 0 : i32
        %lt3A_603 = arith.cmpi slt, %rem3A_599, %lt3A_602 : i32
        %lt3A_604 = arith.constant 0 : i32
        %lt3A_605 = arith.cmpi slt, %select_n3A_598, %lt3A_604 : i32
        %ne3A_606 = arith.xori %lt3A_603, %lt3A_605 : i1
        %and3A_607 = arith.andi %ne3A_606, %ne3A_601 : i1
        %add3A_608 = arith.addi %rem3A_599, %select_n3A_598 : i32
        %select_n3A_609 = arith.select %and3A_607, %add3A_608, %rem3A_599 : i32
        %mul3A_610 = arith.constant 16 : i32
        %mul3A_611 = arith.muli %select_n3A_609, %mul3A_610 : i32
        %swap3A_612 = arith.index_cast %select_n3A_593 : i32 to index
        %swap3A_613 = arith.index_cast %mul3A_611 : i32 to index
        %swap3A_614 = tpu.vector_load %arg8[%swap3A_612, %swap3A_613] {strides = array<i32>} : memref<16x128xi32, #tpu.memory_space<vmem>>, vector<1x16xi32>,
        %swap3A_615 = vector.shape_cast %swap3A_614 : vector<1x16xi32> to vector<16xi32>
        %swap3A_616 = vector.shape_cast %add3A_569 : vector<16xi32> to vector<1x16xi32>
        tpu.vector_store %arg8[%swap3A_612, %swap3A_613], %swap3A_616 {strides = array<i32>} : memref<16x128xi32, #tpu.memory_space<vmem>>, vector<1x16xi32>,
      }
      %scan3A_40 = arith.constant 128 : i32
      %dma_start3A = arith.constant 0 : i32
      %dma_start3A_41 = arith.constant 0 : i32
      %dma_start3A_42 = arith.constant 0 : i32
      %dma_start3A_43 = tpu.memref_slice %arg9[%dma_start3A_41, %dma_start3A_42] : memref<16x128xf32, #tpu.memory_space<vmem>> -> memref<1x128xf32, #tpu.memory_space<vmem>>
      %dma_start3A_44 = tpu.memref_squeeze %dma_start3A_43 : memref<1x128xf32, #tpu.memory_space<vmem>> -> memref<128xf32, #tpu.memory_space<vmem>>
      %dma_start3A_45 = arith.constant 0 : i32
      %dma_start3A_46 = tpu.memref_slice %arg8[%dma_start3A, %dma_start3A_45] : memref<16x128xi32, #tpu.memory_space<vmem>> -> memref<1x128xi32, #tpu.memory_space<vmem>>
      %dma_start3A_47 = tpu.memref_squeeze %dma_start3A_46 : memref<1x128xi32, #tpu.memory_space<vmem>> -> memref<128xi32, #tpu.memory_space<vmem>>
      %dma_start3A_48 = arith.constant 0 : i32
      %dma_start3A_49 = tpu.memref_slice %arg2[%dma_start3A_48] : memref<100663296xf32, #tpu.memory_space<hbm>> -> memref<100663296xf32, #tpu.memory_space<hbm>>
      tpu.enqueue_indirect_dma source(%dma_start3A_49 : memref<100663296xf32, #tpu.memory_space<hbm>>) target(%dma_start3A_44 : memref<128xf32, #tpu.memory_space<vmem>>) offsets(%dma_start3A_47 : memref<128xi32, #tpu.memory_space<vmem>>) semaphore(%arg11 : memref<!tpu.dma_semaphore, #tpu.memory_space<semaphore_mem>>)
      %dma_start3A_50 = arith.constant 1 : i32
      %dma_start3A_51 = arith.constant 1 : i32
      %dma_start3A_52 = arith.constant 0 : i32
      %dma_start3A_53 = tpu.memref_slice %arg9[%dma_start3A_51, %dma_start3A_52] : memref<16x128xf32, #tpu.memory_space<vmem>> -> memref<1x128xf32, #tpu.memory_space<vmem>>
      %dma_start3A_54 = tpu.memref_squeeze %dma_start3A_53 : memref<1x128xf32, #tpu.memory_space<vmem>> -> memref<128xf32, #tpu.memory_space<vmem>>
      %dma_start3A_55 = arith.constant 0 : i32
      %dma_start3A_56 = tpu.memref_slice %arg8[%dma_start3A_50, %dma_start3A_55] : memref<16x128xi32, #tpu.memory_space<vmem>> -> memref<1x128xi32, #tpu.memory_space<vmem>>
      %dma_start3A_57 = tpu.memref_squeeze %dma_start3A_56 : memref<1x128xi32, #tpu.memory_space<vmem>> -> memref<128xi32, #tpu.memory_space<vmem>>
      %dma_start3A_58 = arith.constant 0 : i32
      %dma_start3A_59 = tpu.memref_slice %arg2[%dma_start3A_58] : memref<100663296xf32, #tpu.memory_space<hbm>> -> memref<100663296xf32, #tpu.memory_space<hbm>>
      tpu.enqueue_indirect_dma source(%dma_start3A_59 : memref<100663296xf32, #tpu.memory_space<hbm>>) target(%dma_start3A_54 : memref<128xf32, #tpu.memory_space<vmem>>) offsets(%dma_start3A_57 : memref<128xi32, #tpu.memory_space<vmem>>) semaphore(%arg11 : memref<!tpu.dma_semaphore, #tpu.memory_space<semaphore_mem>>)
      %dma_start3A_60 = arith.constant 2 : i32
      %dma_start3A_61 = arith.constant 2 : i32
      %dma_start3A_62 = arith.constant 0 : i32
      %dma_start3A_63 = tpu.memref_slice %arg9[%dma_start3A_61, %dma_start3A_62] : memref<16x128xf32, #tpu.memory_space<vmem>> -> memref<1x128xf32, #tpu.memory_space<vmem>>
      %dma_start3A_64 = tpu.memref_squeeze %dma_start3A_63 : memref<1x128xf32, #tpu.memory_space<vmem>> -> memref<128xf32, #tpu.memory_space<vmem>>
      %dma_start3A_65 = arith.constant 0 : i32
      %dma_start3A_66 = tpu.memref_slice %arg8[%dma_start3A_60, %dma_start3A_65] : memref<16x128xi32, #tpu.memory_space<vmem>> -> memref<1x128xi32, #tpu.memory_space<vmem>>
      %dma_start3A_67 = tpu.memref_squeeze %dma_start3A_66 : memref<1x128xi32, #tpu.memory_space<vmem>> -> memref<128xi32, #tpu.memory_space<vmem>>
      %dma_start3A_68 = arith.constant 0 : i32
      %dma_start3A_69 = tpu.memref_slice %arg2[%dma_start3A_68] : memref<100663296xf32, #tpu.memory_space<hbm>> -> memref<100663296xf32, #tpu.memory_space<hbm>>
      tpu.enqueue_indirect_dma source(%dma_start3A_69 : memref<100663296xf32, #tpu.memory_space<hbm>>) target(%dma_start3A_64 : memref<128xf32, #tpu.memory_space<vmem>>) offsets(%dma_start3A_67 : memref<128xi32, #tpu.memory_space<vmem>>) semaphore(%arg11 : memref<!tpu.dma_semaphore, #tpu.memory_space<semaphore_mem>>)
      %dma_start3A_70 = arith.constant 3 : i32
      %dma_start3A_71 = arith.constant 3 : i32
      %dma_start3A_72 = arith.constant 0 : i32
      %dma_start3A_73 = tpu.memref_slice %arg9[%dma_start3A_71, %dma_start3A_72] : memref<16x128xf32, #tpu.memory_space<vmem>> -> memref<1x128xf32, #tpu.memory_space<vmem>>
      %dma_start3A_74 = tpu.memref_squeeze %dma_start3A_73 : memref<1x128xf32, #tpu.memory_space<vmem>> -> memref<128xf32, #tpu.memory_space<vmem>>
      %dma_start3A_75 = arith.constant 0 : i32
      %dma_start3A_76 = tpu.memref_slice %arg8[%dma_start3A_70, %dma_start3A_75] : memref<16x128xi32, #tpu.memory_space<vmem>> -> memref<1x128xi32, #tpu.memory_space<vmem>>
      %dma_start3A_77 = tpu.memref_squeeze %dma_start3A_76 : memref<1x128xi32, #tpu.memory_space<vmem>> -> memref<128xi32, #tpu.memory_space<vmem>>
      %dma_start3A_78 = arith.constant 0 : i32
      %dma_start3A_79 = tpu.memref_slice %arg2[%dma_start3A_78] : memref<100663296xf32, #tpu.memory_space<hbm>> -> memref<100663296xf32, #tpu.memory_space<hbm>>
      tpu.enqueue_indirect_dma source(%dma_start3A_79 : memref<100663296xf32, #tpu.memory_space<hbm>>) target(%dma_start3A_74 : memref<128xf32, #tpu.memory_space<vmem>>) offsets(%dma_start3A_77 : memref<128xi32, #tpu.memory_space<vmem>>) semaphore(%arg11 : memref<!tpu.dma_semaphore, #tpu.memory_space<semaphore_mem>>)
      %dma_start3A_80 = arith.constant 4 : i32
      %dma_start3A_81 = arith.constant 4 : i32
      %dma_start3A_82 = arith.constant 0 : i32
      %dma_start3A_83 = tpu.memref_slice %arg9[%dma_start3A_81, %dma_start3A_82] : memref<16x128xf32, #tpu.memory_space<vmem>> -> memref<1x128xf32, #tpu.memory_space<vmem>>
      %dma_start3A_84 = tpu.memref_squeeze %dma_start3A_83 : memref<1x128xf32, #tpu.memory_space<vmem>> -> memref<128xf32, #tpu.memory_space<vmem>>
      %dma_start3A_85 = arith.constant 0 : i32
      %dma_start3A_86 = tpu.memref_slice %arg8[%dma_start3A_80, %dma_start3A_85] : memref<16x128xi32, #tpu.memory_space<vmem>> -> memref<1x128xi32, #tpu.memory_space<vmem>>
      %dma_start3A_87 = tpu.memref_squeeze %dma_start3A_86 : memref<1x128xi32, #tpu.memory_space<vmem>> -> memref<128xi32, #tpu.memory_space<vmem>>
      %dma_start3A_88 = arith.constant 0 : i32
      %dma_start3A_89 = tpu.memref_slice %arg2[%dma_start3A_88] : memref<100663296xf32, #tpu.memory_space<hbm>> -> memref<100663296xf32, #tpu.memory_space<hbm>>
      tpu.enqueue_indirect_dma source(%dma_start3A_89 : memref<100663296xf32, #tpu.memory_space<hbm>>) target(%dma_start3A_84 : memref<128xf32, #tpu.memory_space<vmem>>) offsets(%dma_start3A_87 : memref<128xi32, #tpu.memory_space<vmem>>) semaphore(%arg11 : memref<!tpu.dma_semaphore, #tpu.memory_space<semaphore_mem>>)
      %dma_start3A_90 = arith.constant 5 : i32
      %dma_start3A_91 = arith.constant 5 : i32
      %dma_start3A_92 = arith.constant 0 : i32
      %dma_start3A_93 = tpu.memref_slice %arg9[%dma_start3A_91, %dma_start3A_92] : memref<16x128xf32, #tpu.memory_space<vmem>> -> memref<1x128xf32, #tpu.memory_space<vmem>>
      %dma_start3A_94 = tpu.memref_squeeze %dma_start3A_93 : memref<1x128xf32, #tpu.memory_space<vmem>> -> memref<128xf32, #tpu.memory_space<vmem>>
      %dma_start3A_95 = arith.constant 0 : i32
      %dma_start3A_96 = tpu.memref_slice %arg8[%dma_start3A_90, %dma_start3A_95] : memref<16x128xi32, #tpu.memory_space<vmem>> -> memref<1x128xi32, #tpu.memory_space<vmem>>
      %dma_start3A_97 = tpu.memref_squeeze %dma_start3A_96 : memref<1x128xi32, #tpu.memory_space<vmem>> -> memref<128xi32, #tpu.memory_space<vmem>>
      %dma_start3A_98 = arith.constant 0 : i32
      %dma_start3A_99 = tpu.memref_slice %arg2[%dma_start3A_98] : memref<100663296xf32, #tpu.memory_space<hbm>> -> memref<100663296xf32, #tpu.memory_space<hbm>>
      tpu.enqueue_indirect_dma source(%dma_start3A_99 : memref<100663296xf32, #tpu.memory_space<hbm>>) target(%dma_start3A_94 : memref<128xf32, #tpu.memory_space<vmem>>) offsets(%dma_start3A_97 : memref<128xi32, #tpu.memory_space<vmem>>) semaphore(%arg11 : memref<!tpu.dma_semaphore, #tpu.memory_space<semaphore_mem>>)
      %dma_start3A_100 = arith.constant 6 : i32
      %dma_start3A_101 = arith.constant 6 : i32
      %dma_start3A_102 = arith.constant 0 : i32
      %dma_start3A_103 = tpu.memref_slice %arg9[%dma_start3A_101, %dma_start3A_102] : memref<16x128xf32, #tpu.memory_space<vmem>> -> memref<1x128xf32, #tpu.memory_space<vmem>>
      %dma_start3A_104 = tpu.memref_squeeze %dma_start3A_103 : memref<1x128xf32, #tpu.memory_space<vmem>> -> memref<128xf32, #tpu.memory_space<vmem>>
      %dma_start3A_105 = arith.constant 0 : i32
      %dma_start3A_106 = tpu.memref_slice %arg8[%dma_start3A_100, %dma_start3A_105] : memref<16x128xi32, #tpu.memory_space<vmem>> -> memref<1x128xi32, #tpu.memory_space<vmem>>
      %dma_start3A_107 = tpu.memref_squeeze %dma_start3A_106 : memref<1x128xi32, #tpu.memory_space<vmem>> -> memref<128xi32, #tpu.memory_space<vmem>>
      %dma_start3A_108 = arith.constant 0 : i32
      %dma_start3A_109 = tpu.memref_slice %arg2[%dma_start3A_108] : memref<100663296xf32, #tpu.memory_space<hbm>> -> memref<100663296xf32, #tpu.memory_space<hbm>>
      tpu.enqueue_indirect_dma source(%dma_start3A_109 : memref<100663296xf32, #tpu.memory_space<hbm>>) target(%dma_start3A_104 : memref<128xf32, #tpu.memory_space<vmem>>) offsets(%dma_start3A_107 : memref<128xi32, #tpu.memory_space<vmem>>) semaphore(%arg11 : memref<!tpu.dma_semaphore, #tpu.memory_space<semaphore_mem>>)
      %dma_start3A_110 = arith.constant 7 : i32
      %dma_start3A_111 = arith.constant 7 : i32
      %dma_start3A_112 = arith.constant 0 : i32
      %dma_start3A_113 = tpu.memref_slice %arg9[%dma_start3A_111, %dma_start3A_112] : memref<16x128xf32, #tpu.memory_space<vmem>> -> memref<1x128xf32, #tpu.memory_space<vmem>>
      %dma_start3A_114 = tpu.memref_squeeze %dma_start3A_113 : memref<1x128xf32, #tpu.memory_space<vmem>> -> memref<128xf32, #tpu.memory_space<vmem>>
      %dma_start3A_115 = arith.constant 0 : i32
      %dma_start3A_116 = tpu.memref_slice %arg8[%dma_start3A_110, %dma_start3A_115] : memref<16x128xi32, #tpu.memory_space<vmem>> -> memref<1x128xi32, #tpu.memory_space<vmem>>
      %dma_start3A_117 = tpu.memref_squeeze %dma_start3A_116 : memref<1x128xi32, #tpu.memory_space<vmem>> -> memref<128xi32, #tpu.memory_space<vmem>>
      %dma_start3A_118 = arith.constant 0 : i32
      %dma_start3A_119 = tpu.memref_slice %arg2[%dma_start3A_118] : memref<100663296xf32, #tpu.memory_space<hbm>> -> memref<100663296xf32, #tpu.memory_space<hbm>>
      tpu.enqueue_indirect_dma source(%dma_start3A_119 : memref<100663296xf32, #tpu.memory_space<hbm>>) target(%dma_start3A_114 : memref<128xf32, #tpu.memory_space<vmem>>) offsets(%dma_start3A_117 : memref<128xi32, #tpu.memory_space<vmem>>) semaphore(%arg11 : memref<!tpu.dma_semaphore, #tpu.memory_space<semaphore_mem>>)
      %dma_start3A_120 = arith.constant 8 : i32
      %dma_start3A_121 = arith.constant 8 : i32
      %dma_start3A_122 = arith.constant 0 : i32
      %dma_start3A_123 = tpu.memref_slice %arg9[%dma_start3A_121, %dma_start3A_122] : memref<16x128xf32, #tpu.memory_space<vmem>> -> memref<1x128xf32, #tpu.memory_space<vmem>>
      %dma_start3A_124 = tpu.memref_squeeze %dma_start3A_123 : memref<1x128xf32, #tpu.memory_space<vmem>> -> memref<128xf32, #tpu.memory_space<vmem>>
      %dma_start3A_125 = arith.constant 0 : i32
      %dma_start3A_126 = tpu.memref_slice %arg8[%dma_start3A_120, %dma_start3A_125] : memref<16x128xi32, #tpu.memory_space<vmem>> -> memref<1x128xi32, #tpu.memory_space<vmem>>
      %dma_start3A_127 = tpu.memref_squeeze %dma_start3A_126 : memref<1x128xi32, #tpu.memory_space<vmem>> -> memref<128xi32, #tpu.memory_space<vmem>>
      %dma_start3A_128 = arith.constant 0 : i32
      %dma_start3A_129 = tpu.memref_slice %arg2[%dma_start3A_128] : memref<100663296xf32, #tpu.memory_space<hbm>> -> memref<100663296xf32, #tpu.memory_space<hbm>>
      tpu.enqueue_indirect_dma source(%dma_start3A_129 : memref<100663296xf32, #tpu.memory_space<hbm>>) target(%dma_start3A_124 : memref<128xf32, #tpu.memory_space<vmem>>) offsets(%dma_start3A_127 : memref<128xi32, #tpu.memory_space<vmem>>) semaphore(%arg11 : memref<!tpu.dma_semaphore, #tpu.memory_space<semaphore_mem>>)
      %dma_start3A_130 = arith.constant 9 : i32
      %dma_start3A_131 = arith.constant 9 : i32
      %dma_start3A_132 = arith.constant 0 : i32
      %dma_start3A_133 = tpu.memref_slice %arg9[%dma_start3A_131, %dma_start3A_132] : memref<16x128xf32, #tpu.memory_space<vmem>> -> memref<1x128xf32, #tpu.memory_space<vmem>>
      %dma_start3A_134 = tpu.memref_squeeze %dma_start3A_133 : memref<1x128xf32, #tpu.memory_space<vmem>> -> memref<128xf32, #tpu.memory_space<vmem>>
      %dma_start3A_135 = arith.constant 0 : i32
      %dma_start3A_136 = tpu.memref_slice %arg8[%dma_start3A_130, %dma_start3A_135] : memref<16x128xi32, #tpu.memory_space<vmem>> -> memref<1x128xi32, #tpu.memory_space<vmem>>
      %dma_start3A_137 = tpu.memref_squeeze %dma_start3A_136 : memref<1x128xi32, #tpu.memory_space<vmem>> -> memref<128xi32, #tpu.memory_space<vmem>>
      %dma_start3A_138 = arith.constant 0 : i32
      %dma_start3A_139 = tpu.memref_slice %arg2[%dma_start3A_138] : memref<100663296xf32, #tpu.memory_space<hbm>> -> memref<100663296xf32, #tpu.memory_space<hbm>>
      tpu.enqueue_indirect_dma source(%dma_start3A_139 : memref<100663296xf32, #tpu.memory_space<hbm>>) target(%dma_start3A_134 : memref<128xf32, #tpu.memory_space<vmem>>) offsets(%dma_start3A_137 : memref<128xi32, #tpu.memory_space<vmem>>) semaphore(%arg11 : memref<!tpu.dma_semaphore, #tpu.memory_space<semaphore_mem>>)
      %dma_start3A_140 = arith.constant 10 : i32
      %dma_start3A_141 = arith.constant 10 : i32
      %dma_start3A_142 = arith.constant 0 : i32
      %dma_start3A_143 = tpu.memref_slice %arg9[%dma_start3A_141, %dma_start3A_142] : memref<16x128xf32, #tpu.memory_space<vmem>> -> memref<1x128xf32, #tpu.memory_space<vmem>>
      %dma_start3A_144 = tpu.memref_squeeze %dma_start3A_143 : memref<1x128xf32, #tpu.memory_space<vmem>> -> memref<128xf32, #tpu.memory_space<vmem>>
      %dma_start3A_145 = arith.constant 0 : i32
      %dma_start3A_146 = tpu.memref_slice %arg8[%dma_start3A_140, %dma_start3A_145] : memref<16x128xi32, #tpu.memory_space<vmem>> -> memref<1x128xi32, #tpu.memory_space<vmem>>
      %dma_start3A_147 = tpu.memref_squeeze %dma_start3A_146 : memref<1x128xi32, #tpu.memory_space<vmem>> -> memref<128xi32, #tpu.memory_space<vmem>>
      %dma_start3A_148 = arith.constant 0 : i32
      %dma_start3A_149 = tpu.memref_slice %arg2[%dma_start3A_148] : memref<100663296xf32, #tpu.memory_space<hbm>> -> memref<100663296xf32, #tpu.memory_space<hbm>>
      tpu.enqueue_indirect_dma source(%dma_start3A_149 : memref<100663296xf32, #tpu.memory_space<hbm>>) target(%dma_start3A_144 : memref<128xf32, #tpu.memory_space<vmem>>) offsets(%dma_start3A_147 : memref<128xi32, #tpu.memory_space<vmem>>) semaphore(%arg11 : memref<!tpu.dma_semaphore, #tpu.memory_space<semaphore_mem>>)
      %dma_start3A_150 = arith.constant 11 : i32
      %dma_start3A_151 = arith.constant 11 : i32
      %dma_start3A_152 = arith.constant 0 : i32
      %dma_start3A_153 = tpu.memref_slice %arg9[%dma_start3A_151, %dma_start3A_152] : memref<16x128xf32, #tpu.memory_space<vmem>> -> memref<1x128xf32, #tpu.memory_space<vmem>>
      %dma_start3A_154 = tpu.memref_squeeze %dma_start3A_153 : memref<1x128xf32, #tpu.memory_space<vmem>> -> memref<128xf32, #tpu.memory_space<vmem>>
      %dma_start3A_155 = arith.constant 0 : i32
      %dma_start3A_156 = tpu.memref_slice %arg8[%dma_start3A_150, %dma_start3A_155] : memref<16x128xi32, #tpu.memory_space<vmem>> -> memref<1x128xi32, #tpu.memory_space<vmem>>
      %dma_start3A_157 = tpu.memref_squeeze %dma_start3A_156 : memref<1x128xi32, #tpu.memory_space<vmem>> -> memref<128xi32, #tpu.memory_space<vmem>>
      %dma_start3A_158 = arith.constant 0 : i32
      %dma_start3A_159 = tpu.memref_slice %arg2[%dma_start3A_158] : memref<100663296xf32, #tpu.memory_space<hbm>> -> memref<100663296xf32, #tpu.memory_space<hbm>>
      tpu.enqueue_indirect_dma source(%dma_start3A_159 : memref<100663296xf32, #tpu.memory_space<hbm>>) target(%dma_start3A_154 : memref<128xf32, #tpu.memory_space<vmem>>) offsets(%dma_start3A_157 : memref<128xi32, #tpu.memory_space<vmem>>) semaphore(%arg11 : memref<!tpu.dma_semaphore, #tpu.memory_space<semaphore_mem>>)
      %dma_start3A_160 = arith.constant 12 : i32
      %dma_start3A_161 = arith.constant 12 : i32
      %dma_start3A_162 = arith.constant 0 : i32
      %dma_start3A_163 = tpu.memref_slice %arg9[%dma_start3A_161, %dma_start3A_162] : memref<16x128xf32, #tpu.memory_space<vmem>> -> memref<1x128xf32, #tpu.memory_space<vmem>>
      %dma_start3A_164 = tpu.memref_squeeze %dma_start3A_163 : memref<1x128xf32, #tpu.memory_space<vmem>> -> memref<128xf32, #tpu.memory_space<vmem>>
      %dma_start3A_165 = arith.constant 0 : i32
      %dma_start3A_166 = tpu.memref_slice %arg8[%dma_start3A_160, %dma_start3A_165] : memref<16x128xi32, #tpu.memory_space<vmem>> -> memref<1x128xi32, #tpu.memory_space<vmem>>
      %dma_start3A_167 = tpu.memref_squeeze %dma_start3A_166 : memref<1x128xi32, #tpu.memory_space<vmem>> -> memref<128xi32, #tpu.memory_space<vmem>>
      %dma_start3A_168 = arith.constant 0 : i32
      %dma_start3A_169 = tpu.memref_slice %arg2[%dma_start3A_168] : memref<100663296xf32, #tpu.memory_space<hbm>> -> memref<100663296xf32, #tpu.memory_space<hbm>>
      tpu.enqueue_indirect_dma source(%dma_start3A_169 : memref<100663296xf32, #tpu.memory_space<hbm>>) target(%dma_start3A_164 : memref<128xf32, #tpu.memory_space<vmem>>) offsets(%dma_start3A_167 : memref<128xi32, #tpu.memory_space<vmem>>) semaphore(%arg11 : memref<!tpu.dma_semaphore, #tpu.memory_space<semaphore_mem>>)
      %dma_start3A_170 = arith.constant 13 : i32
      %dma_start3A_171 = arith.constant 13 : i32
      %dma_start3A_172 = arith.constant 0 : i32
      %dma_start3A_173 = tpu.memref_slice %arg9[%dma_start3A_171, %dma_start3A_172] : memref<16x128xf32, #tpu.memory_space<vmem>> -> memref<1x128xf32, #tpu.memory_space<vmem>>
      %dma_start3A_174 = tpu.memref_squeeze %dma_start3A_173 : memref<1x128xf32, #tpu.memory_space<vmem>> -> memref<128xf32, #tpu.memory_space<vmem>>
      %dma_start3A_175 = arith.constant 0 : i32
      %dma_start3A_176 = tpu.memref_slice %arg8[%dma_start3A_170, %dma_start3A_175] : memref<16x128xi32, #tpu.memory_space<vmem>> -> memref<1x128xi32, #tpu.memory_space<vmem>>
      %dma_start3A_177 = tpu.memref_squeeze %dma_start3A_176 : memref<1x128xi32, #tpu.memory_space<vmem>> -> memref<128xi32, #tpu.memory_space<vmem>>
      %dma_start3A_178 = arith.constant 0 : i32
      %dma_start3A_179 = tpu.memref_slice %arg2[%dma_start3A_178] : memref<100663296xf32, #tpu.memory_space<hbm>> -> memref<100663296xf32, #tpu.memory_space<hbm>>
      tpu.enqueue_indirect_dma source(%dma_start3A_179 : memref<100663296xf32, #tpu.memory_space<hbm>>) target(%dma_start3A_174 : memref<128xf32, #tpu.memory_space<vmem>>) offsets(%dma_start3A_177 : memref<128xi32, #tpu.memory_space<vmem>>) semaphore(%arg11 : memref<!tpu.dma_semaphore, #tpu.memory_space<semaphore_mem>>)
      %dma_start3A_180 = arith.constant 14 : i32
      %dma_start3A_181 = arith.constant 14 : i32
      %dma_start3A_182 = arith.constant 0 : i32
      %dma_start3A_183 = tpu.memref_slice %arg9[%dma_start3A_181, %dma_start3A_182] : memref<16x128xf32, #tpu.memory_space<vmem>> -> memref<1x128xf32, #tpu.memory_space<vmem>>
      %dma_start3A_184 = tpu.memref_squeeze %dma_start3A_183 : memref<1x128xf32, #tpu.memory_space<vmem>> -> memref<128xf32, #tpu.memory_space<vmem>>
      %dma_start3A_185 = arith.constant 0 : i32
      %dma_start3A_186 = tpu.memref_slice %arg8[%dma_start3A_180, %dma_start3A_185] : memref<16x128xi32, #tpu.memory_space<vmem>> -> memref<1x128xi32, #tpu.memory_space<vmem>>
      %dma_start3A_187 = tpu.memref_squeeze %dma_start3A_186 : memref<1x128xi32, #tpu.memory_space<vmem>> -> memref<128xi32, #tpu.memory_space<vmem>>
      %dma_start3A_188 = arith.constant 0 : i32
      %dma_start3A_189 = tpu.memref_slice %arg2[%dma_start3A_188] : memref<100663296xf32, #tpu.memory_space<hbm>> -> memref<100663296xf32, #tpu.memory_space<hbm>>
      tpu.enqueue_indirect_dma source(%dma_start3A_189 : memref<100663296xf32, #tpu.memory_space<hbm>>) target(%dma_start3A_184 : memref<128xf32, #tpu.memory_space<vmem>>) offsets(%dma_start3A_187 : memref<128xi32, #tpu.memory_space<vmem>>) semaphore(%arg11 : memref<!tpu.dma_semaphore, #tpu.memory_space<semaphore_mem>>)
      %dma_start3A_190 = arith.constant 15 : i32
      %dma_start3A_191 = arith.constant 15 : i32
      %dma_start3A_192 = arith.constant 0 : i32
      %dma_start3A_193 = tpu.memref_slice %arg9[%dma_start3A_191, %dma_start3A_192] : memref<16x128xf32, #tpu.memory_space<vmem>> -> memref<1x128xf32, #tpu.memory_space<vmem>>
      %dma_start3A_194 = tpu.memref_squeeze %dma_start3A_193 : memref<1x128xf32, #tpu.memory_space<vmem>> -> memref<128xf32, #tpu.memory_space<vmem>>
      %dma_start3A_195 = arith.constant 0 : i32
      %dma_start3A_196 = tpu.memref_slice %arg8[%dma_start3A_190, %dma_start3A_195] : memref<16x128xi32, #tpu.memory_space<vmem>> -> memref<1x128xi32, #tpu.memory_space<vmem>>
      %dma_start3A_197 = tpu.memref_squeeze %dma_start3A_196 : memref<1x128xi32, #tpu.memory_space<vmem>> -> memref<128xi32, #tpu.memory_space<vmem>>
      %dma_start3A_198 = arith.constant 0 : i32
      %dma_start3A_199 = tpu.memref_slice %arg2[%dma_start3A_198] : memref<100663296xf32, #tpu.memory_space<hbm>> -> memref<100663296xf32, #tpu.memory_space<hbm>>
      tpu.enqueue_indirect_dma source(%dma_start3A_199 : memref<100663296xf32, #tpu.memory_space<hbm>>) target(%dma_start3A_194 : memref<128xf32, #tpu.memory_space<vmem>>) offsets(%dma_start3A_197 : memref<128xi32, #tpu.memory_space<vmem>>) semaphore(%arg11 : memref<!tpu.dma_semaphore, #tpu.memory_space<semaphore_mem>>)
      %dma_wait3A = arith.constant 0 : i32
      %dma_wait3A_200 = arith.constant 0 : i32
      %dma_wait3A_201 = arith.constant 0 : i32
      %dma_wait3A_202 = tpu.memref_slice %arg9[%dma_wait3A_200, %dma_wait3A_201] : memref<16x128xf32, #tpu.memory_space<vmem>> -> memref<1x128xf32, #tpu.memory_space<vmem>>
      %dma_wait3A_203 = tpu.memref_squeeze %dma_wait3A_202 : memref<1x128xf32, #tpu.memory_space<vmem>> -> memref<128xf32, #tpu.memory_space<vmem>>
      %dma_wait3A_204 = arith.constant 0 : i32
      %dma_wait3A_205 = tpu.memref_slice %arg8[%dma_wait3A, %dma_wait3A_204] : memref<16x128xi32, #tpu.memory_space<vmem>> -> memref<1x128xi32, #tpu.memory_space<vmem>>
      %dma_wait3A_206 = tpu.memref_squeeze %dma_wait3A_205 : memref<1x128xi32, #tpu.memory_space<vmem>> -> memref<128xi32, #tpu.memory_space<vmem>>
      %dma_wait3A_207 = arith.constant 0 : i32
      %dma_wait3A_208 = tpu.memref_slice %arg2[%dma_wait3A_207] : memref<100663296xf32, #tpu.memory_space<hbm>> -> memref<100663296xf32, #tpu.memory_space<hbm>>
      tpu.wait_indirect_dma semaphore(%arg11 : memref<!tpu.dma_semaphore, #tpu.memory_space<semaphore_mem>>) src(%dma_wait3A_208 : memref<100663296xf32, #tpu.memory_space<hbm>>) dst(%dma_wait3A_203 : memref<128xf32, #tpu.memory_space<vmem>>)
      %dma_wait3A_209 = arith.constant 1 : i32
      %dma_wait3A_210 = arith.constant 1 : i32
      %dma_wait3A_211 = arith.constant 0 : i32
      %dma_wait3A_212 = tpu.memref_slice %arg9[%dma_wait3A_210, %dma_wait3A_211] : memref<16x128xf32, #tpu.memory_space<vmem>> -> memref<1x128xf32, #tpu.memory_space<vmem>>
      %dma_wait3A_213 = tpu.memref_squeeze %dma_wait3A_212 : memref<1x128xf32, #tpu.memory_space<vmem>> -> memref<128xf32, #tpu.memory_space<vmem>>
      %dma_wait3A_214 = arith.constant 0 : i32
      %dma_wait3A_215 = tpu.memref_slice %arg8[%dma_wait3A_209, %dma_wait3A_214] : memref<16x128xi32, #tpu.memory_space<vmem>> -> memref<1x128xi32, #tpu.memory_space<vmem>>
      %dma_wait3A_216 = tpu.memref_squeeze %dma_wait3A_215 : memref<1x128xi32, #tpu.memory_space<vmem>> -> memref<128xi32, #tpu.memory_space<vmem>>
      %dma_wait3A_217 = arith.constant 0 : i32
      %dma_wait3A_218 = tpu.memref_slice %arg2[%dma_wait3A_217] : memref<100663296xf32, #tpu.memory_space<hbm>> -> memref<100663296xf32, #tpu.memory_space<hbm>>
      tpu.wait_indirect_dma semaphore(%arg11 : memref<!tpu.dma_semaphore, #tpu.memory_space<semaphore_mem>>) src(%dma_wait3A_218 : memref<100663296xf32, #tpu.memory_space<hbm>>) dst(%dma_wait3A_213 : memref<128xf32, #tpu.memory_space<vmem>>)
      %dma_wait3A_219 = arith.constant 2 : i32
      %dma_wait3A_220 = arith.constant 2 : i32
      %dma_wait3A_221 = arith.constant 0 : i32
      %dma_wait3A_222 = tpu.memref_slice %arg9[%dma_wait3A_220, %dma_wait3A_221] : memref<16x128xf32, #tpu.memory_space<vmem>> -> memref<1x128xf32, #tpu.memory_space<vmem>>
      %dma_wait3A_223 = tpu.memref_squeeze %dma_wait3A_222 : memref<1x128xf32, #tpu.memory_space<vmem>> -> memref<128xf32, #tpu.memory_space<vmem>>
      %dma_wait3A_224 = arith.constant 0 : i32
      %dma_wait3A_225 = tpu.memref_slice %arg8[%dma_wait3A_219, %dma_wait3A_224] : memref<16x128xi32, #tpu.memory_space<vmem>> -> memref<1x128xi32, #tpu.memory_space<vmem>>
      %dma_wait3A_226 = tpu.memref_squeeze %dma_wait3A_225 : memref<1x128xi32, #tpu.memory_space<vmem>> -> memref<128xi32, #tpu.memory_space<vmem>>
      %dma_wait3A_227 = arith.constant 0 : i32
      %dma_wait3A_228 = tpu.memref_slice %arg2[%dma_wait3A_227] : memref<100663296xf32, #tpu.memory_space<hbm>> -> memref<100663296xf32, #tpu.memory_space<hbm>>
      tpu.wait_indirect_dma semaphore(%arg11 : memref<!tpu.dma_semaphore, #tpu.memory_space<semaphore_mem>>) src(%dma_wait3A_228 : memref<100663296xf32, #tpu.memory_space<hbm>>) dst(%dma_wait3A_223 : memref<128xf32, #tpu.memory_space<vmem>>)
      %dma_wait3A_229 = arith.constant 3 : i32
      %dma_wait3A_230 = arith.constant 3 : i32
      %dma_wait3A_231 = arith.constant 0 : i32
      %dma_wait3A_232 = tpu.memref_slice %arg9[%dma_wait3A_230, %dma_wait3A_231] : memref<16x128xf32, #tpu.memory_space<vmem>> -> memref<1x128xf32, #tpu.memory_space<vmem>>
      %dma_wait3A_233 = tpu.memref_squeeze %dma_wait3A_232 : memref<1x128xf32, #tpu.memory_space<vmem>> -> memref<128xf32, #tpu.memory_space<vmem>>
      %dma_wait3A_234 = arith.constant 0 : i32
      %dma_wait3A_235 = tpu.memref_slice %arg8[%dma_wait3A_229, %dma_wait3A_234] : memref<16x128xi32, #tpu.memory_space<vmem>> -> memref<1x128xi32, #tpu.memory_space<vmem>>
      %dma_wait3A_236 = tpu.memref_squeeze %dma_wait3A_235 : memref<1x128xi32, #tpu.memory_space<vmem>> -> memref<128xi32, #tpu.memory_space<vmem>>
      %dma_wait3A_237 = arith.constant 0 : i32
      %dma_wait3A_238 = tpu.memref_slice %arg2[%dma_wait3A_237] : memref<100663296xf32, #tpu.memory_space<hbm>> -> memref<100663296xf32, #tpu.memory_space<hbm>>
      tpu.wait_indirect_dma semaphore(%arg11 : memref<!tpu.dma_semaphore, #tpu.memory_space<semaphore_mem>>) src(%dma_wait3A_238 : memref<100663296xf32, #tpu.memory_space<hbm>>) dst(%dma_wait3A_233 : memref<128xf32, #tpu.memory_space<vmem>>)
      %dma_wait3A_239 = arith.constant 4 : i32
      %dma_wait3A_240 = arith.constant 4 : i32
      %dma_wait3A_241 = arith.constant 0 : i32
      %dma_wait3A_242 = tpu.memref_slice %arg9[%dma_wait3A_240, %dma_wait3A_241] : memref<16x128xf32, #tpu.memory_space<vmem>> -> memref<1x128xf32, #tpu.memory_space<vmem>>
      %dma_wait3A_243 = tpu.memref_squeeze %dma_wait3A_242 : memref<1x128xf32, #tpu.memory_space<vmem>> -> memref<128xf32, #tpu.memory_space<vmem>>
      %dma_wait3A_244 = arith.constant 0 : i32
      %dma_wait3A_245 = tpu.memref_slice %arg8[%dma_wait3A_239, %dma_wait3A_244] : memref<16x128xi32, #tpu.memory_space<vmem>> -> memref<1x128xi32, #tpu.memory_space<vmem>>
      %dma_wait3A_246 = tpu.memref_squeeze %dma_wait3A_245 : memref<1x128xi32, #tpu.memory_space<vmem>> -> memref<128xi32, #tpu.memory_space<vmem>>
      %dma_wait3A_247 = arith.constant 0 : i32
      %dma_wait3A_248 = tpu.memref_slice %arg2[%dma_wait3A_247] : memref<100663296xf32, #tpu.memory_space<hbm>> -> memref<100663296xf32, #tpu.memory_space<hbm>>
      tpu.wait_indirect_dma semaphore(%arg11 : memref<!tpu.dma_semaphore, #tpu.memory_space<semaphore_mem>>) src(%dma_wait3A_248 : memref<100663296xf32, #tpu.memory_space<hbm>>) dst(%dma_wait3A_243 : memref<128xf32, #tpu.memory_space<vmem>>)
      %dma_wait3A_249 = arith.constant 5 : i32
      %dma_wait3A_250 = arith.constant 5 : i32
      %dma_wait3A_251 = arith.constant 0 : i32
      %dma_wait3A_252 = tpu.memref_slice %arg9[%dma_wait3A_250, %dma_wait3A_251] : memref<16x128xf32, #tpu.memory_space<vmem>> -> memref<1x128xf32, #tpu.memory_space<vmem>>
      %dma_wait3A_253 = tpu.memref_squeeze %dma_wait3A_252 : memref<1x128xf32, #tpu.memory_space<vmem>> -> memref<128xf32, #tpu.memory_space<vmem>>
      %dma_wait3A_254 = arith.constant 0 : i32
      %dma_wait3A_255 = tpu.memref_slice %arg8[%dma_wait3A_249, %dma_wait3A_254] : memref<16x128xi32, #tpu.memory_space<vmem>> -> memref<1x128xi32, #tpu.memory_space<vmem>>
      %dma_wait3A_256 = tpu.memref_squeeze %dma_wait3A_255 : memref<1x128xi32, #tpu.memory_space<vmem>> -> memref<128xi32, #tpu.memory_space<vmem>>
      %dma_wait3A_257 = arith.constant 0 : i32
      %dma_wait3A_258 = tpu.memref_slice %arg2[%dma_wait3A_257] : memref<100663296xf32, #tpu.memory_space<hbm>> -> memref<100663296xf32, #tpu.memory_space<hbm>>
      tpu.wait_indirect_dma semaphore(%arg11 : memref<!tpu.dma_semaphore, #tpu.memory_space<semaphore_mem>>) src(%dma_wait3A_258 : memref<100663296xf32, #tpu.memory_space<hbm>>) dst(%dma_wait3A_253 : memref<128xf32, #tpu.memory_space<vmem>>)
      %dma_wait3A_259 = arith.constant 6 : i32
      %dma_wait3A_260 = arith.constant 6 : i32
      %dma_wait3A_261 = arith.constant 0 : i32
      %dma_wait3A_262 = tpu.memref_slice %arg9[%dma_wait3A_260, %dma_wait3A_261] : memref<16x128xf32, #tpu.memory_space<vmem>> -> memref<1x128xf32, #tpu.memory_space<vmem>>
      %dma_wait3A_263 = tpu.memref_squeeze %dma_wait3A_262 : memref<1x128xf32, #tpu.memory_space<vmem>> -> memref<128xf32, #tpu.memory_space<vmem>>
      %dma_wait3A_264 = arith.constant 0 : i32
      %dma_wait3A_265 = tpu.memref_slice %arg8[%dma_wait3A_259, %dma_wait3A_264] : memref<16x128xi32, #tpu.memory_space<vmem>> -> memref<1x128xi32, #tpu.memory_space<vmem>>
      %dma_wait3A_266 = tpu.memref_squeeze %dma_wait3A_265 : memref<1x128xi32, #tpu.memory_space<vmem>> -> memref<128xi32, #tpu.memory_space<vmem>>
      %dma_wait3A_267 = arith.constant 0 : i32
      %dma_wait3A_268 = tpu.memref_slice %arg2[%dma_wait3A_267] : memref<100663296xf32, #tpu.memory_space<hbm>> -> memref<100663296xf32, #tpu.memory_space<hbm>>
      tpu.wait_indirect_dma semaphore(%arg11 : memref<!tpu.dma_semaphore, #tpu.memory_space<semaphore_mem>>) src(%dma_wait3A_268 : memref<100663296xf32, #tpu.memory_space<hbm>>) dst(%dma_wait3A_263 : memref<128xf32, #tpu.memory_space<vmem>>)
      %dma_wait3A_269 = arith.constant 7 : i32
      %dma_wait3A_270 = arith.constant 7 : i32
      %dma_wait3A_271 = arith.constant 0 : i32
      %dma_wait3A_272 = tpu.memref_slice %arg9[%dma_wait3A_270, %dma_wait3A_271] : memref<16x128xf32, #tpu.memory_space<vmem>> -> memref<1x128xf32, #tpu.memory_space<vmem>>
      %dma_wait3A_273 = tpu.memref_squeeze %dma_wait3A_272 : memref<1x128xf32, #tpu.memory_space<vmem>> -> memref<128xf32, #tpu.memory_space<vmem>>
      %dma_wait3A_274 = arith.constant 0 : i32
      %dma_wait3A_275 = tpu.memref_slice %arg8[%dma_wait3A_269, %dma_wait3A_274] : memref<16x128xi32, #tpu.memory_space<vmem>> -> memref<1x128xi32, #tpu.memory_space<vmem>>
      %dma_wait3A_276 = tpu.memref_squeeze %dma_wait3A_275 : memref<1x128xi32, #tpu.memory_space<vmem>> -> memref<128xi32, #tpu.memory_space<vmem>>
      %dma_wait3A_277 = arith.constant 0 : i32
      %dma_wait3A_278 = tpu.memref_slice %arg2[%dma_wait3A_277] : memref<100663296xf32, #tpu.memory_space<hbm>> -> memref<100663296xf32, #tpu.memory_space<hbm>>
      tpu.wait_indirect_dma semaphore(%arg11 : memref<!tpu.dma_semaphore, #tpu.memory_space<semaphore_mem>>) src(%dma_wait3A_278 : memref<100663296xf32, #tpu.memory_space<hbm>>) dst(%dma_wait3A_273 : memref<128xf32, #tpu.memory_space<vmem>>)
      %dma_wait3A_279 = arith.constant 8 : i32
      %dma_wait3A_280 = arith.constant 8 : i32
      %dma_wait3A_281 = arith.constant 0 : i32
      %dma_wait3A_282 = tpu.memref_slice %arg9[%dma_wait3A_280, %dma_wait3A_281] : memref<16x128xf32, #tpu.memory_space<vmem>> -> memref<1x128xf32, #tpu.memory_space<vmem>>
      %dma_wait3A_283 = tpu.memref_squeeze %dma_wait3A_282 : memref<1x128xf32, #tpu.memory_space<vmem>> -> memref<128xf32, #tpu.memory_space<vmem>>
      %dma_wait3A_284 = arith.constant 0 : i32
      %dma_wait3A_285 = tpu.memref_slice %arg8[%dma_wait3A_279, %dma_wait3A_284] : memref<16x128xi32, #tpu.memory_space<vmem>> -> memref<1x128xi32, #tpu.memory_space<vmem>>
      %dma_wait3A_286 = tpu.memref_squeeze %dma_wait3A_285 : memref<1x128xi32, #tpu.memory_space<vmem>> -> memref<128xi32, #tpu.memory_space<vmem>>
      %dma_wait3A_287 = arith.constant 0 : i32
      %dma_wait3A_288 = tpu.memref_slice %arg2[%dma_wait3A_287] : memref<100663296xf32, #tpu.memory_space<hbm>> -> memref<100663296xf32, #tpu.memory_space<hbm>>
      tpu.wait_indirect_dma semaphore(%arg11 : memref<!tpu.dma_semaphore, #tpu.memory_space<semaphore_mem>>) src(%dma_wait3A_288 : memref<100663296xf32, #tpu.memory_space<hbm>>) dst(%dma_wait3A_283 : memref<128xf32, #tpu.memory_space<vmem>>)
      %dma_wait3A_289 = arith.constant 9 : i32
      %dma_wait3A_290 = arith.constant 9 : i32
      %dma_wait3A_291 = arith.constant 0 : i32
      %dma_wait3A_292 = tpu.memref_slice %arg9[%dma_wait3A_290, %dma_wait3A_291] : memref<16x128xf32, #tpu.memory_space<vmem>> -> memref<1x128xf32, #tpu.memory_space<vmem>>
      %dma_wait3A_293 = tpu.memref_squeeze %dma_wait3A_292 : memref<1x128xf32, #tpu.memory_space<vmem>> -> memref<128xf32, #tpu.memory_space<vmem>>
      %dma_wait3A_294 = arith.constant 0 : i32
      %dma_wait3A_295 = tpu.memref_slice %arg8[%dma_wait3A_289, %dma_wait3A_294] : memref<16x128xi32, #tpu.memory_space<vmem>> -> memref<1x128xi32, #tpu.memory_space<vmem>>
      %dma_wait3A_296 = tpu.memref_squeeze %dma_wait3A_295 : memref<1x128xi32, #tpu.memory_space<vmem>> -> memref<128xi32, #tpu.memory_space<vmem>>
      %dma_wait3A_297 = arith.constant 0 : i32
      %dma_wait3A_298 = tpu.memref_slice %arg2[%dma_wait3A_297] : memref<100663296xf32, #tpu.memory_space<hbm>> -> memref<100663296xf32, #tpu.memory_space<hbm>>
      tpu.wait_indirect_dma semaphore(%arg11 : memref<!tpu.dma_semaphore, #tpu.memory_space<semaphore_mem>>) src(%dma_wait3A_298 : memref<100663296xf32, #tpu.memory_space<hbm>>) dst(%dma_wait3A_293 : memref<128xf32, #tpu.memory_space<vmem>>)
      %dma_wait3A_299 = arith.constant 10 : i32
      %dma_wait3A_300 = arith.constant 10 : i32
      %dma_wait3A_301 = arith.constant 0 : i32
      %dma_wait3A_302 = tpu.memref_slice %arg9[%dma_wait3A_300, %dma_wait3A_301] : memref<16x128xf32, #tpu.memory_space<vmem>> -> memref<1x128xf32, #tpu.memory_space<vmem>>
      %dma_wait3A_303 = tpu.memref_squeeze %dma_wait3A_302 : memref<1x128xf32, #tpu.memory_space<vmem>> -> memref<128xf32, #tpu.memory_space<vmem>>
      %dma_wait3A_304 = arith.constant 0 : i32
      %dma_wait3A_305 = tpu.memref_slice %arg8[%dma_wait3A_299, %dma_wait3A_304] : memref<16x128xi32, #tpu.memory_space<vmem>> -> memref<1x128xi32, #tpu.memory_space<vmem>>
      %dma_wait3A_306 = tpu.memref_squeeze %dma_wait3A_305 : memref<1x128xi32, #tpu.memory_space<vmem>> -> memref<128xi32, #tpu.memory_space<vmem>>
      %dma_wait3A_307 = arith.constant 0 : i32
      %dma_wait3A_308 = tpu.memref_slice %arg2[%dma_wait3A_307] : memref<100663296xf32, #tpu.memory_space<hbm>> -> memref<100663296xf32, #tpu.memory_space<hbm>>
      tpu.wait_indirect_dma semaphore(%arg11 : memref<!tpu.dma_semaphore, #tpu.memory_space<semaphore_mem>>) src(%dma_wait3A_308 : memref<100663296xf32, #tpu.memory_space<hbm>>) dst(%dma_wait3A_303 : memref<128xf32, #tpu.memory_space<vmem>>)
      %dma_wait3A_309 = arith.constant 11 : i32
      %dma_wait3A_310 = arith.constant 11 : i32
      %dma_wait3A_311 = arith.constant 0 : i32
      %dma_wait3A_312 = tpu.memref_slice %arg9[%dma_wait3A_310, %dma_wait3A_311] : memref<16x128xf32, #tpu.memory_space<vmem>> -> memref<1x128xf32, #tpu.memory_space<vmem>>
      %dma_wait3A_313 = tpu.memref_squeeze %dma_wait3A_312 : memref<1x128xf32, #tpu.memory_space<vmem>> -> memref<128xf32, #tpu.memory_space<vmem>>
      %dma_wait3A_314 = arith.constant 0 : i32
      %dma_wait3A_315 = tpu.memref_slice %arg8[%dma_wait3A_309, %dma_wait3A_314] : memref<16x128xi32, #tpu.memory_space<vmem>> -> memref<1x128xi32, #tpu.memory_space<vmem>>
      %dma_wait3A_316 = tpu.memref_squeeze %dma_wait3A_315 : memref<1x128xi32, #tpu.memory_space<vmem>> -> memref<128xi32, #tpu.memory_space<vmem>>
      %dma_wait3A_317 = arith.constant 0 : i32
      %dma_wait3A_318 = tpu.memref_slice %arg2[%dma_wait3A_317] : memref<100663296xf32, #tpu.memory_space<hbm>> -> memref<100663296xf32, #tpu.memory_space<hbm>>
      tpu.wait_indirect_dma semaphore(%arg11 : memref<!tpu.dma_semaphore, #tpu.memory_space<semaphore_mem>>) src(%dma_wait3A_318 : memref<100663296xf32, #tpu.memory_space<hbm>>) dst(%dma_wait3A_313 : memref<128xf32, #tpu.memory_space<vmem>>)
      %dma_wait3A_319 = arith.constant 12 : i32
      %dma_wait3A_320 = arith.constant 12 : i32
      %dma_wait3A_321 = arith.constant 0 : i32
      %dma_wait3A_322 = tpu.memref_slice %arg9[%dma_wait3A_320, %dma_wait3A_321] : memref<16x128xf32, #tpu.memory_space<vmem>> -> memref<1x128xf32, #tpu.memory_space<vmem>>
      %dma_wait3A_323 = tpu.memref_squeeze %dma_wait3A_322 : memref<1x128xf32, #tpu.memory_space<vmem>> -> memref<128xf32, #tpu.memory_space<vmem>>
      %dma_wait3A_324 = arith.constant 0 : i32
      %dma_wait3A_325 = tpu.memref_slice %arg8[%dma_wait3A_319, %dma_wait3A_324] : memref<16x128xi32, #tpu.memory_space<vmem>> -> memref<1x128xi32, #tpu.memory_space<vmem>>
      %dma_wait3A_326 = tpu.memref_squeeze %dma_wait3A_325 : memref<1x128xi32, #tpu.memory_space<vmem>> -> memref<128xi32, #tpu.memory_space<vmem>>
      %dma_wait3A_327 = arith.constant 0 : i32
      %dma_wait3A_328 = tpu.memref_slice %arg2[%dma_wait3A_327] : memref<100663296xf32, #tpu.memory_space<hbm>> -> memref<100663296xf32, #tpu.memory_space<hbm>>
      tpu.wait_indirect_dma semaphore(%arg11 : memref<!tpu.dma_semaphore, #tpu.memory_space<semaphore_mem>>) src(%dma_wait3A_328 : memref<100663296xf32, #tpu.memory_space<hbm>>) dst(%dma_wait3A_323 : memref<128xf32, #tpu.memory_space<vmem>>)
      %dma_wait3A_329 = arith.constant 13 : i32
      %dma_wait3A_330 = arith.constant 13 : i32
      %dma_wait3A_331 = arith.constant 0 : i32
      %dma_wait3A_332 = tpu.memref_slice %arg9[%dma_wait3A_330, %dma_wait3A_331] : memref<16x128xf32, #tpu.memory_space<vmem>> -> memref<1x128xf32, #tpu.memory_space<vmem>>
      %dma_wait3A_333 = tpu.memref_squeeze %dma_wait3A_332 : memref<1x128xf32, #tpu.memory_space<vmem>> -> memref<128xf32, #tpu.memory_space<vmem>>
      %dma_wait3A_334 = arith.constant 0 : i32
      %dma_wait3A_335 = tpu.memref_slice %arg8[%dma_wait3A_329, %dma_wait3A_334] : memref<16x128xi32, #tpu.memory_space<vmem>> -> memref<1x128xi32, #tpu.memory_space<vmem>>
      %dma_wait3A_336 = tpu.memref_squeeze %dma_wait3A_335 : memref<1x128xi32, #tpu.memory_space<vmem>> -> memref<128xi32, #tpu.memory_space<vmem>>
      %dma_wait3A_337 = arith.constant 0 : i32
      %dma_wait3A_338 = tpu.memref_slice %arg2[%dma_wait3A_337] : memref<100663296xf32, #tpu.memory_space<hbm>> -> memref<100663296xf32, #tpu.memory_space<hbm>>
      tpu.wait_indirect_dma semaphore(%arg11 : memref<!tpu.dma_semaphore, #tpu.memory_space<semaphore_mem>>) src(%dma_wait3A_338 : memref<100663296xf32, #tpu.memory_space<hbm>>) dst(%dma_wait3A_333 : memref<128xf32, #tpu.memory_space<vmem>>)
      %dma_wait3A_339 = arith.constant 14 : i32
      %dma_wait3A_340 = arith.constant 14 : i32
      %dma_wait3A_341 = arith.constant 0 : i32
      %dma_wait3A_342 = tpu.memref_slice %arg9[%dma_wait3A_340, %dma_wait3A_341] : memref<16x128xf32, #tpu.memory_space<vmem>> -> memref<1x128xf32, #tpu.memory_space<vmem>>
      %dma_wait3A_343 = tpu.memref_squeeze %dma_wait3A_342 : memref<1x128xf32, #tpu.memory_space<vmem>> -> memref<128xf32, #tpu.memory_space<vmem>>
      %dma_wait3A_344 = arith.constant 0 : i32
      %dma_wait3A_345 = tpu.memref_slice %arg8[%dma_wait3A_339, %dma_wait3A_344] : memref<16x128xi32, #tpu.memory_space<vmem>> -> memref<1x128xi32, #tpu.memory_space<vmem>>
      %dma_wait3A_346 = tpu.memref_squeeze %dma_wait3A_345 : memref<1x128xi32, #tpu.memory_space<vmem>> -> memref<128xi32, #tpu.memory_space<vmem>>
      %dma_wait3A_347 = arith.constant 0 : i32
      %dma_wait3A_348 = tpu.memref_slice %arg2[%dma_wait3A_347] : memref<100663296xf32, #tpu.memory_space<hbm>> -> memref<100663296xf32, #tpu.memory_space<hbm>>
      tpu.wait_indirect_dma semaphore(%arg11 : memref<!tpu.dma_semaphore, #tpu.memory_space<semaphore_mem>>) src(%dma_wait3A_348 : memref<100663296xf32, #tpu.memory_space<hbm>>) dst(%dma_wait3A_343 : memref<128xf32, #tpu.memory_space<vmem>>)
      %dma_wait3A_349 = arith.constant 15 : i32
      %dma_wait3A_350 = arith.constant 15 : i32
      %dma_wait3A_351 = arith.constant 0 : i32
      %dma_wait3A_352 = tpu.memref_slice %arg9[%dma_wait3A_350, %dma_wait3A_351] : memref<16x128xf32, #tpu.memory_space<vmem>> -> memref<1x128xf32, #tpu.memory_space<vmem>>
      %dma_wait3A_353 = tpu.memref_squeeze %dma_wait3A_352 : memref<1x128xf32, #tpu.memory_space<vmem>> -> memref<128xf32, #tpu.memory_space<vmem>>
      %dma_wait3A_354 = arith.constant 0 : i32
      %dma_wait3A_355 = tpu.memref_slice %arg8[%dma_wait3A_349, %dma_wait3A_354] : memref<16x128xi32, #tpu.memory_space<vmem>> -> memref<1x128xi32, #tpu.memory_space<vmem>>
      %dma_wait3A_356 = tpu.memref_squeeze %dma_wait3A_355 : memref<1x128xi32, #tpu.memory_space<vmem>> -> memref<128xi32, #tpu.memory_space<vmem>>
      %dma_wait3A_357 = arith.constant 0 : i32
      %dma_wait3A_358 = tpu.memref_slice %arg2[%dma_wait3A_357] : memref<100663296xf32, #tpu.memory_space<hbm>> -> memref<100663296xf32, #tpu.memory_space<hbm>>
      tpu.wait_indirect_dma semaphore(%arg11 : memref<!tpu.dma_semaphore, #tpu.memory_space<semaphore_mem>>) src(%dma_wait3A_358 : memref<100663296xf32, #tpu.memory_space<hbm>>) dst(%dma_wait3A_353 : memref<128xf32, #tpu.memory_space<vmem>>)
      %scan3A_359 = arith.constant 0 : i32
      %scan3A_360 = arith.constant 128 : i32
      %scan3A_361 = arith.addi %scan3A_359, %scan3A_360 : i32
      %scan3A_362 = arith.constant 4 : i32
      %scan3A_363 = scf.for %scan3A_365 = %scan3A_359 to %scan3A_361 step %scan3A_362 iter_args(%scan3A_366 = %scan3A_31) -> (vector<16xf32>)  : i32 {
        %jit3A_367 = arith.constant 8 : i32
        %div3A_368 = arith.divsi %scan3A_365, %jit3A_367 : i32
        %sign3A_369 = arith.constant 0 : i32
        %sign3A_370 = arith.cmpi sgt, %scan3A_365, %sign3A_369 : i32
        %sign3A_371 = arith.extui %sign3A_370 : i1 to i32
        %sign3A_372 = arith.constant 0 : i32
        %sign3A_373 = arith.cmpi slt, %scan3A_365, %sign3A_372 : i32
        %sign3A_374 = arith.extui %sign3A_373 : i1 to i32
        %sign3A_375 = arith.subi %sign3A_371, %sign3A_374 : i32
        %sign3A_376 = arith.constant 0 : i32
        %sign3A_377 = arith.cmpi sgt, %jit3A_367, %sign3A_376 : i32
        %sign3A_378 = arith.extui %sign3A_377 : i1 to i32
        %sign3A_379 = arith.constant 0 : i32
        %sign3A_380 = arith.cmpi slt, %jit3A_367, %sign3A_379 : i32
        %sign3A_381 = arith.extui %sign3A_380 : i1 to i32
        %sign3A_382 = arith.subi %sign3A_378, %sign3A_381 : i32
        %ne3A_383 = arith.cmpi ne, %sign3A_375, %sign3A_382 : i32
        %rem3A_384 = arith.remsi %scan3A_365, %jit3A_367 : i32
        %ne3A_385 = arith.constant 0 : i32
        %ne3A_386 = arith.cmpi ne, %rem3A_384, %ne3A_385 : i32
        %and3A_387 = arith.andi %ne3A_383, %ne3A_386 : i1
        %sub3A_388 = arith.constant 1 : i32
        %sub3A_389 = arith.subi %div3A_368, %sub3A_388 : i32
        %select_n3A_390 = arith.select %and3A_387, %sub3A_389, %div3A_368 : i32
        %jit3A_391 = arith.constant 8 : i32
        %eq3A = arith.constant 0 : i32
        %eq3A_392 = arith.cmpi eq, %jit3A_391, %eq3A : i32
        %jit3A_393 = arith.constant 1 : i32
        %select_n3A_394 = arith.select %eq3A_392, %jit3A_393, %jit3A_391 : i32
        %rem3A_395 = arith.remsi %scan3A_365, %select_n3A_394 : i32
        %ne3A_396 = arith.constant 0 : i32
        %ne3A_397 = arith.cmpi ne, %rem3A_395, %ne3A_396 : i32
        %lt3A = arith.constant 0 : i32
        %lt3A_398 = arith.cmpi slt, %rem3A_395, %lt3A : i32
        %lt3A_399 = arith.constant 0 : i32
        %lt3A_400 = arith.cmpi slt, %select_n3A_394, %lt3A_399 : i32
        %ne3A_401 = arith.xori %lt3A_398, %lt3A_400 : i1
        %and3A_402 = arith.andi %ne3A_401, %ne3A_397 : i1
        %add3A_403 = arith.addi %rem3A_395, %select_n3A_394 : i32
        %select_n3A_404 = arith.select %and3A_402, %add3A_403, %rem3A_395 : i32
        %mul3A_405 = arith.constant 16 : i32
        %mul3A_406 = arith.muli %select_n3A_404, %mul3A_405 : i32
        %get3A = arith.index_cast %select_n3A_390 : i32 to index
        %get3A_407 = arith.index_cast %mul3A_406 : i32 to index
        %get3A_408 = tpu.vector_load %arg9[%get3A, %get3A_407] {strides = array<i32>} : memref<16x128xf32, #tpu.memory_space<vmem>>, vector<1x16xf32>,
        %get3A_409 = vector.shape_cast %get3A_408 : vector<1x16xf32> to vector<16xf32>
        %mul3A_410 = arith.constant 16 : i32
        %mul3A_411 = arith.muli %scan3A_365, %mul3A_410 : i32
        %get3A_412 = arith.index_cast %mul3A_411 : i32 to index
        %get3A_413 = tpu.vector_load %arg7[%get3A_412] {strides = array<i32>} : memref<2048xf32, #tpu.memory_space<vmem>>, vector<16xf32>,
        %get3A_414 = vector.shape_cast %get3A_413 : vector<16xf32> to vector<16xf32>
        %mul3A_415 = arith.mulf %get3A_409, %get3A_414 : vector<16xf32>
        %add3A_416 = arith.addf %scan3A_366, %mul3A_415 : vector<16xf32>
        %scan3A_417 = arith.constant 1 : i32
        %scan3A_418 = arith.addi %scan3A_365, %scan3A_417 : i32
        %jit3A_419 = arith.constant 8 : i32
        %div3A_420 = arith.divsi %scan3A_418, %jit3A_419 : i32
        %sign3A_421 = arith.constant 0 : i32
        %sign3A_422 = arith.cmpi sgt, %scan3A_418, %sign3A_421 : i32
        %sign3A_423 = arith.extui %sign3A_422 : i1 to i32
        %sign3A_424 = arith.constant 0 : i32
        %sign3A_425 = arith.cmpi slt, %scan3A_418, %sign3A_424 : i32
        %sign3A_426 = arith.extui %sign3A_425 : i1 to i32
        %sign3A_427 = arith.subi %sign3A_423, %sign3A_426 : i32
        %sign3A_428 = arith.constant 0 : i32
        %sign3A_429 = arith.cmpi sgt, %jit3A_419, %sign3A_428 : i32
        %sign3A_430 = arith.extui %sign3A_429 : i1 to i32
        %sign3A_431 = arith.constant 0 : i32
        %sign3A_432 = arith.cmpi slt, %jit3A_419, %sign3A_431 : i32
        %sign3A_433 = arith.extui %sign3A_432 : i1 to i32
        %sign3A_434 = arith.subi %sign3A_430, %sign3A_433 : i32
        %ne3A_435 = arith.cmpi ne, %sign3A_427, %sign3A_434 : i32
        %rem3A_436 = arith.remsi %scan3A_418, %jit3A_419 : i32
        %ne3A_437 = arith.constant 0 : i32
        %ne3A_438 = arith.cmpi ne, %rem3A_436, %ne3A_437 : i32
        %and3A_439 = arith.andi %ne3A_435, %ne3A_438 : i1
        %sub3A_440 = arith.constant 1 : i32
        %sub3A_441 = arith.subi %div3A_420, %sub3A_440 : i32
        %select_n3A_442 = arith.select %and3A_439, %sub3A_441, %div3A_420 : i32
        %jit3A_443 = arith.constant 8 : i32
        %eq3A_444 = arith.constant 0 : i32
        %eq3A_445 = arith.cmpi eq, %jit3A_443, %eq3A_444 : i32
        %jit3A_446 = arith.constant 1 : i32
        %select_n3A_447 = arith.select %eq3A_445, %jit3A_446, %jit3A_443 : i32
        %rem3A_448 = arith.remsi %scan3A_418, %select_n3A_447 : i32
        %ne3A_449 = arith.constant 0 : i32
        %ne3A_450 = arith.cmpi ne, %rem3A_448, %ne3A_449 : i32
        %lt3A_451 = arith.constant 0 : i32
        %lt3A_452 = arith.cmpi slt, %rem3A_448, %lt3A_451 : i32
        %lt3A_453 = arith.constant 0 : i32
        %lt3A_454 = arith.cmpi slt, %select_n3A_447, %lt3A_453 : i32
        %ne3A_455 = arith.xori %lt3A_452, %lt3A_454 : i1
        %and3A_456 = arith.andi %ne3A_455, %ne3A_450 : i1
        %add3A_457 = arith.addi %rem3A_448, %select_n3A_447 : i32
        %select_n3A_458 = arith.select %and3A_456, %add3A_457, %rem3A_448 : i32
        %mul3A_459 = arith.constant 16 : i32
        %mul3A_460 = arith.muli %select_n3A_458, %mul3A_459 : i32
        %get3A_461 = arith.index_cast %select_n3A_442 : i32 to index
        %get3A_462 = arith.index_cast %mul3A_460 : i32 to index
        %get3A_463 = tpu.vector_load %arg9[%get3A_461, %get3A_462] {strides = array<i32>} : memref<16x128xf32, #tpu.memory_space<vmem>>, vector<1x16xf32>,
        %get3A_464 = vector.shape_cast %get3A_463 : vector<1x16xf32> to vector<16xf32>
        %mul3A_465 = arith.constant 16 : i32
        %mul3A_466 = arith.muli %scan3A_418, %mul3A_465 : i32
        %get3A_467 = arith.index_cast %mul3A_466 : i32 to index
        %get3A_468 = tpu.vector_load %arg7[%get3A_467] {strides = array<i32>} : memref<2048xf32, #tpu.memory_space<vmem>>, vector<16xf32>,
        %get3A_469 = vector.shape_cast %get3A_468 : vector<16xf32> to vector<16xf32>
        %mul3A_470 = arith.mulf %get3A_464, %get3A_469 : vector<16xf32>
        %add3A_471 = arith.addf %add3A_416, %mul3A_470 : vector<16xf32>
        %scan3A_472 = arith.constant 2 : i32
        %scan3A_473 = arith.addi %scan3A_365, %scan3A_472 : i32
        %jit3A_474 = arith.constant 8 : i32
        %div3A_475 = arith.divsi %scan3A_473, %jit3A_474 : i32
        %sign3A_476 = arith.constant 0 : i32
        %sign3A_477 = arith.cmpi sgt, %scan3A_473, %sign3A_476 : i32
        %sign3A_478 = arith.extui %sign3A_477 : i1 to i32
        %sign3A_479 = arith.constant 0 : i32
        %sign3A_480 = arith.cmpi slt, %scan3A_473, %sign3A_479 : i32
        %sign3A_481 = arith.extui %sign3A_480 : i1 to i32
        %sign3A_482 = arith.subi %sign3A_478, %sign3A_481 : i32
        %sign3A_483 = arith.constant 0 : i32
        %sign3A_484 = arith.cmpi sgt, %jit3A_474, %sign3A_483 : i32
        %sign3A_485 = arith.extui %sign3A_484 : i1 to i32
        %sign3A_486 = arith.constant 0 : i32
        %sign3A_487 = arith.cmpi slt, %jit3A_474, %sign3A_486 : i32
        %sign3A_488 = arith.extui %sign3A_487 : i1 to i32
        %sign3A_489 = arith.subi %sign3A_485, %sign3A_488 : i32
        %ne3A_490 = arith.cmpi ne, %sign3A_482, %sign3A_489 : i32
        %rem3A_491 = arith.remsi %scan3A_473, %jit3A_474 : i32
        %ne3A_492 = arith.constant 0 : i32
        %ne3A_493 = arith.cmpi ne, %rem3A_491, %ne3A_492 : i32
        %and3A_494 = arith.andi %ne3A_490, %ne3A_493 : i1
        %sub3A_495 = arith.constant 1 : i32
        %sub3A_496 = arith.subi %div3A_475, %sub3A_495 : i32
        %select_n3A_497 = arith.select %and3A_494, %sub3A_496, %div3A_475 : i32
        %jit3A_498 = arith.constant 8 : i32
        %eq3A_499 = arith.constant 0 : i32
        %eq3A_500 = arith.cmpi eq, %jit3A_498, %eq3A_499 : i32
        %jit3A_501 = arith.constant 1 : i32
        %select_n3A_502 = arith.select %eq3A_500, %jit3A_501, %jit3A_498 : i32
        %rem3A_503 = arith.remsi %scan3A_473, %select_n3A_502 : i32
        %ne3A_504 = arith.constant 0 : i32
        %ne3A_505 = arith.cmpi ne, %rem3A_503, %ne3A_504 : i32
        %lt3A_506 = arith.constant 0 : i32
        %lt3A_507 = arith.cmpi slt, %rem3A_503, %lt3A_506 : i32
        %lt3A_508 = arith.constant 0 : i32
        %lt3A_509 = arith.cmpi slt, %select_n3A_502, %lt3A_508 : i32
        %ne3A_510 = arith.xori %lt3A_507, %lt3A_509 : i1
        %and3A_511 = arith.andi %ne3A_510, %ne3A_505 : i1
        %add3A_512 = arith.addi %rem3A_503, %select_n3A_502 : i32
        %select_n3A_513 = arith.select %and3A_511, %add3A_512, %rem3A_503 : i32
        %mul3A_514 = arith.constant 16 : i32
        %mul3A_515 = arith.muli %select_n3A_513, %mul3A_514 : i32
        %get3A_516 = arith.index_cast %select_n3A_497 : i32 to index
        %get3A_517 = arith.index_cast %mul3A_515 : i32 to index
        %get3A_518 = tpu.vector_load %arg9[%get3A_516, %get3A_517] {strides = array<i32>} : memref<16x128xf32, #tpu.memory_space<vmem>>, vector<1x16xf32>,
        %get3A_519 = vector.shape_cast %get3A_518 : vector<1x16xf32> to vector<16xf32>
        %mul3A_520 = arith.constant 16 : i32
        %mul3A_521 = arith.muli %scan3A_473, %mul3A_520 : i32
        %get3A_522 = arith.index_cast %mul3A_521 : i32 to index
        %get3A_523 = tpu.vector_load %arg7[%get3A_522] {strides = array<i32>} : memref<2048xf32, #tpu.memory_space<vmem>>, vector<16xf32>,
        %get3A_524 = vector.shape_cast %get3A_523 : vector<16xf32> to vector<16xf32>
        %mul3A_525 = arith.mulf %get3A_519, %get3A_524 : vector<16xf32>
        %add3A_526 = arith.addf %add3A_471, %mul3A_525 : vector<16xf32>
        %scan3A_527 = arith.constant 3 : i32
        %scan3A_528 = arith.addi %scan3A_365, %scan3A_527 : i32
        %jit3A_529 = arith.constant 8 : i32
        %div3A_530 = arith.divsi %scan3A_528, %jit3A_529 : i32
        %sign3A_531 = arith.constant 0 : i32
        %sign3A_532 = arith.cmpi sgt, %scan3A_528, %sign3A_531 : i32
        %sign3A_533 = arith.extui %sign3A_532 : i1 to i32
        %sign3A_534 = arith.constant 0 : i32
        %sign3A_535 = arith.cmpi slt, %scan3A_528, %sign3A_534 : i32
        %sign3A_536 = arith.extui %sign3A_535 : i1 to i32
        %sign3A_537 = arith.subi %sign3A_533, %sign3A_536 : i32
        %sign3A_538 = arith.constant 0 : i32
        %sign3A_539 = arith.cmpi sgt, %jit3A_529, %sign3A_538 : i32
        %sign3A_540 = arith.extui %sign3A_539 : i1 to i32
        %sign3A_541 = arith.constant 0 : i32
        %sign3A_542 = arith.cmpi slt, %jit3A_529, %sign3A_541 : i32
        %sign3A_543 = arith.extui %sign3A_542 : i1 to i32
        %sign3A_544 = arith.subi %sign3A_540, %sign3A_543 : i32
        %ne3A_545 = arith.cmpi ne, %sign3A_537, %sign3A_544 : i32
        %rem3A_546 = arith.remsi %scan3A_528, %jit3A_529 : i32
        %ne3A_547 = arith.constant 0 : i32
        %ne3A_548 = arith.cmpi ne, %rem3A_546, %ne3A_547 : i32
        %and3A_549 = arith.andi %ne3A_545, %ne3A_548 : i1
        %sub3A_550 = arith.constant 1 : i32
        %sub3A_551 = arith.subi %div3A_530, %sub3A_550 : i32
        %select_n3A_552 = arith.select %and3A_549, %sub3A_551, %div3A_530 : i32
        %jit3A_553 = arith.constant 8 : i32
        %eq3A_554 = arith.constant 0 : i32
        %eq3A_555 = arith.cmpi eq, %jit3A_553, %eq3A_554 : i32
        %jit3A_556 = arith.constant 1 : i32
        %select_n3A_557 = arith.select %eq3A_555, %jit3A_556, %jit3A_553 : i32
        %rem3A_558 = arith.remsi %scan3A_528, %select_n3A_557 : i32
        %ne3A_559 = arith.constant 0 : i32
        %ne3A_560 = arith.cmpi ne, %rem3A_558, %ne3A_559 : i32
        %lt3A_561 = arith.constant 0 : i32
        %lt3A_562 = arith.cmpi slt, %rem3A_558, %lt3A_561 : i32
        %lt3A_563 = arith.constant 0 : i32
        %lt3A_564 = arith.cmpi slt, %select_n3A_557, %lt3A_563 : i32
        %ne3A_565 = arith.xori %lt3A_562, %lt3A_564 : i1
        %and3A_566 = arith.andi %ne3A_565, %ne3A_560 : i1
        %add3A_567 = arith.addi %rem3A_558, %select_n3A_557 : i32
        %select_n3A_568 = arith.select %and3A_566, %add3A_567, %rem3A_558 : i32
        %mul3A_569 = arith.constant 16 : i32
        %mul3A_570 = arith.muli %select_n3A_568, %mul3A_569 : i32
        %get3A_571 = arith.index_cast %select_n3A_552 : i32 to index
        %get3A_572 = arith.index_cast %mul3A_570 : i32 to index
        %get3A_573 = tpu.vector_load %arg9[%get3A_571, %get3A_572] {strides = array<i32>} : memref<16x128xf32, #tpu.memory_space<vmem>>, vector<1x16xf32>,
        %get3A_574 = vector.shape_cast %get3A_573 : vector<1x16xf32> to vector<16xf32>
        %mul3A_575 = arith.constant 16 : i32
        %mul3A_576 = arith.muli %scan3A_528, %mul3A_575 : i32
        %get3A_577 = arith.index_cast %mul3A_576 : i32 to index
        %get3A_578 = tpu.vector_load %arg7[%get3A_577] {strides = array<i32>} : memref<2048xf32, #tpu.memory_space<vmem>>, vector<16xf32>,
        %get3A_579 = vector.shape_cast %get3A_578 : vector<16xf32> to vector<16xf32>
        %mul3A_580 = arith.mulf %get3A_574, %get3A_579 : vector<16xf32>
        %add3A_581 = arith.addf %add3A_526, %mul3A_580 : vector<16xf32>
        scf.yield %add3A_581 : vector<16xf32>
      }
      %scan3A_364 = arith.constant 128 : i32
      scf.yield %scan3A_363 : vector<16xf32>
    }
    %scan3A_26 = arith.constant 16 : i32
    %swap3A = arith.constant 0 : index
    %swap3A_27 = tpu.vector_load %arg10[%swap3A] {strides = array<i32>} : memref<16xf32, #tpu.memory_space<vmem>>, vector<16xf32>,
    %swap3A_28 = vector.shape_cast %swap3A_27 : vector<16xf32> to vector<16xf32>
    %swap3A_29 = vector.shape_cast %scan3A_25 : vector<16xf32> to vector<16xf32>
    tpu.vector_store %arg10[%swap3A], %swap3A_29 {strides = array<i32>} : memref<16xf32, #tpu.memory_space<vmem>>, vector<16xf32>,
    "tpu.region"() ({
      %run_scoped3A = tpu.sem_alloc : memref<!tpu.dma_semaphore, #tpu.memory_space<semaphore_mem>>
      %dma_start3A = arith.constant 0 : i32
      %dma_start3A_30 = tpu.memref_slice %arg5[%add3A, %dma_start3A] : memref<32x16xf32, #tpu.memory_space<hbm>> -> memref<1x16xf32, #tpu.memory_space<hbm>>
      %dma_start3A_31 = tpu.memref_squeeze %dma_start3A_30 : memref<1x16xf32, #tpu.memory_space<hbm>> -> memref<16xf32, #tpu.memory_space<hbm>>
      %dma_start3A_32 = arith.constant 0 : i32
      %dma_start3A_33 = tpu.memref_slice %arg5[%add3A, %dma_start3A_32] : memref<32x16xf32, #tpu.memory_space<hbm>> -> memref<1x16xf32, #tpu.memory_space<hbm>>
      %dma_start3A_34 = tpu.memref_squeeze %dma_start3A_33 : memref<1x16xf32, #tpu.memory_space<hbm>> -> memref<16xf32, #tpu.memory_space<hbm>>
      tpu.enqueue_dma source(%arg10 : memref<16xf32, #tpu.memory_space<vmem>>) target(%dma_start3A_34 : memref<16xf32, #tpu.memory_space<hbm>>) target_semaphore(%run_scoped3A : memref<!tpu.dma_semaphore, #tpu.memory_space<semaphore_mem>>)
      %dma_wait3A = arith.constant 0 : i32
      %dma_wait3A_35 = tpu.memref_slice %arg5[%add3A, %dma_wait3A] : memref<32x16xf32, #tpu.memory_space<hbm>> -> memref<1x16xf32, #tpu.memory_space<hbm>>
      %dma_wait3A_36 = tpu.memref_squeeze %dma_wait3A_35 : memref<1x16xf32, #tpu.memory_space<hbm>> -> memref<16xf32, #tpu.memory_space<hbm>>
      %dma_wait3A_37 = arith.constant 0 : i32
      %dma_wait3A_38 = tpu.memref_slice %arg5[%add3A, %dma_wait3A_37] : memref<32x16xf32, #tpu.memory_space<hbm>> -> memref<1x16xf32, #tpu.memory_space<hbm>>
      %dma_wait3A_39 = tpu.memref_squeeze %dma_wait3A_38 : memref<1x16xf32, #tpu.memory_space<hbm>> -> memref<16xf32, #tpu.memory_space<hbm>>
      tpu.wait_dma2 semaphore(%run_scoped3A : memref<!tpu.dma_semaphore, #tpu.memory_space<semaphore_mem>>) src(%arg10 : memref<16xf32, #tpu.memory_space<vmem>>) dst(%dma_wait3A_39 : memref<16xf32, #tpu.memory_space<hbm>>)
      tpu.yield
    }) : () -> ()
    return
  }
}

</mosaic_0001>

<sc_bundles>
// kernel: kernel.3.cloned.1.call-start
scs
__scs_entry_jumppad:
0x0: {  	(pc) =	sbr.rel $0x88, $3  }
0x1: {  	(tag) =	ssettag $0x0;
	lr =	simm.s32 $0x1  }
0x2: {  	[smem:$0x3F9E] =	sst lr;
	_ =	strace $0xD0000000  }
0x3: {  	_ = 	snop  }
0x4: {  	_ = 	snop  }
0x5: {  	_ = 	snop  }
0x6: {  	_ = 	snop  }
0x7: {  	_ = 	snop  }
__scs_overlays_trampoline_lowered:
0x8: {  	[smem:$0x3FAD] =	sst s0  }
0x9: {  	[smem:$0x3FAE] =	sst s1  }
0xa: {  	[smem:$0x3FAF] =	sst s2  }
0xb: {  	[smem:$0x3FB0] =	sst s3  }
0xc: {  	[smem:$0x3FB1] =	sst s4  }
0xd: {  	[smem:$0x3FB2] =	sst s5  }
0xe: {  	[smem:$0x3FB3] =	sst s6  }
0xf: {  	[smem:$0x3FB4] =	sst s7  }
0x10: {  	[smem:$0x3FB5] =	sst s8  }
0x11: {  	[smem:$0x3FB6] =	sst s9;
	s0 =	simm.s32 @!p0 $0x0  }
0x12: {  	s1 =	sld [smem:$0x3F9C];
	s0 =	simm.s32 @p0 $0x1  }
0x13: {  	[smem:$0x3FB7] =	sst s0;
	s0 =	simm.s32 @!p1 $0x0  }
0x14: {  	s2 =	sld [smem:$0x3F9B];
	s0 =	simm.s32 @p1 $0x1  }
0x15: {  	[smem:$0x3FB8] =	sst s0;
	s0 =	simm.s32 @!p2 $0x0  }
0x16: {  	s3 =	sld [smem:$0x3FDB];
	s0 =	simm.s32 @p2 $0x1  }
0x17: {  	s4 =	simm.s32 $0x1BF5;
	[smem:$0x3FBA] =	sst s0  }
0x18: {  	s0 =	sld [smem:$0x3F9D];
	_ =	swait.ge [sflag:s4], $0x0  }
0x19: {  	s7 =	sld [smem:$0x3F9E]  }
0x1a: {  	s8 =	sadd.s32 $0xFFFFE003, lr  }
0x1b: {  	s9 =	sadd.s32 $0xFFFFFEF7, lr;
	s5 =	simm.s32 $0xFFFFFFFF;
	p2 =	slt.u32 s8, $0xFFFFF086  }
0x1c: {  	p1 =	slt.u32 s9, $0xF7A;
	s5 =	simm.s32 @!p2 $0x0  }
0x1d: {  	s5 =	simm.s32 @p1 $0x1;
	p0 =	seq.s32 s7, s2  }
0x1e: {  	s7 =	smul.u32 @!p0 $0xF7A, s2;
	p2 =	seq.s32 @!p0 s5, $0x0  }
0x1f: {  	s9 =	smul.u32 $0xF7A, s1;
	s8 =	simm.s32 @!p0 $0x1BF5;
	p2 =	por !p2, p0  }
0x20: {  	[sflag:s8] =	ssyncset.s32 @!p0 $0xFFFFF086;
	s6 =	sadd.s32 @!p0 s3, s7;
	s7 =	simm.s32 @!p0 $0x108  }
0x21: {  	s3 =	sadd.s32 s3, s9;
	s6 =	sadd.s32 @!p0 $0x88, s6;
	s7 =	simm.s32 @p2 $0x1082  }
0x22: {  	[simem:s7], [sflag:s8] =	dma.local @!p0 [hbm:s6], $0xF7A  }
0x23: {  	s9 =	sor.u32 $0xD0000000, s2;
	s6 =	simm.s32 $0x108;
	_ =	swait.ge @!p0 [sflag:s8], $0x0  }
0x24: {  	s3 =	sadd.s32 $0x88, s3;
	s6 =	simm.s32 @!p1 $0x1082;
	[sflag:s4] =	ssyncset.s32 $0xFFFFF086  }
0x25: {  	[simem:s6], [sflag:s4] =	dma.local [hbm:s3], $0xF7A  }
0x26: {  	[smem:$0x3F9E] =	sst s1;
	(tag) =	ssettag s2;
	_ =	strace s9  }
0x27: {  	s1 =	sld [smem:$0x3FAE]  }
0x28: {  	s2 =	sld [smem:$0x3FAF]  }
0x29: {  	s4 =	sld [smem:$0x3FB1]  }
0x2a: {  	p0 =	seq.s32 s5, $0x0;
	s5 =	sld [smem:$0x3FB2]  }
0x2b: {  	s6 =	sld [smem:$0x3FB3]  }
0x2c: {  	s7 =	sld [smem:$0x3FB4]  }
0x2d: {  	s3 =	simm.s32 $0x108;
	s8 =	sld [smem:$0x3FB5]  }
0x2e: {  	s3 =	simm.s32 @!p0 $0x1082;
	s9 =	sld [smem:$0x3FB6]  }
0x2f: {  	lr =	sadd.s32 s0, s3;
	s0 =	sld [smem:$0x3FAD]  }
0x30: {  	s3 =	sld [smem:$0x3FB0]  }
0x31: {  	[smem:$0x3FB9] =	sst s10  }
0x32: {  	s10 =	sld [smem:$0x3FB7];
	_ =	sdelay $0x3  }
0x33: {  	p0 =	seq.s32 s10, $0x1;
	s10 =	sld [smem:$0x3FB9];
	_ =	sdelay $0x3  }
0x34: {  	[smem:$0x3FB9] =	sst s10  }
0x35: {  	s10 =	sld [smem:$0x3FB8];
	_ =	sdelay $0x3  }
0x36: {  	p1 =	seq.s32 s10, $0x1;
	s10 =	sld [smem:$0x3FB9];
	_ =	sdelay $0x3  }
0x37: {  	[smem:$0x3FB9] =	sst s10  }
0x38: {  	s10 =	sld [smem:$0x3FBA]  }
0x39: {  	_ = 	snop;
	(pc) =	sbr.ind lr, $3  }
0x3a: {  	_ = 	snop  }
0x3b: {  	_ = 	snop  }
0x3c: {  	p2 =	seq.s32 s10, $0x1;
	s10 =	sld [smem:$0x3FB9]  }
0x3d: {  	_ =	shalt  }
0x3e: {  	_ =	shalt  }
0x3f: {  	_ =	shalt  }
0x40: {  	_ =	shalt  }
0x41: {  	_ =	shalt  }
0x42: {  	_ =	shalt  }
0x43: {  	_ =	shalt  }
0x44: {  	_ =	shalt  }
0x45: {  	_ =	shalt  }
0x46: {  	_ =	shalt  }
0x47: {  	_ =	shalt  }
0x48: {  	_ =	shalt  }
0x49: {  	_ =	shalt  }
0x4a: {  	_ =	shalt  }
0x4b: {  	_ =	shalt  }
0x4c: {  	_ =	shalt  }
0x4d: {  	_ =	shalt  }
0x4e: {  	_ =	shalt  }
0x4f: {  	_ =	shalt  }
0x50: {  	_ =	shalt  }
0x51: {  	_ =	shalt  }
0x52: {  	_ =	shalt  }
0x53: {  	_ =	shalt  }
0x54: {  	_ =	shalt  }
0x55: {  	_ =	shalt  }
0x56: {  	_ =	shalt  }
0x57: {  	_ =	shalt  }
0x58: {  	_ =	shalt  }
0x59: {  	_ =	shalt  }
0x5a: {  	_ =	shalt  }
0x5b: {  	_ =	shalt  }
0x5c: {  	_ =	shalt  }
0x5d: {  	_ =	shalt  }
0x5e: {  	_ =	shalt  }
0x5f: {  	_ =	shalt  }
0x60: {  	_ =	shalt  }
0x61: {  	_ =	shalt  }
0x62: {  	_ =	shalt  }
0x63: {  	_ =	shalt  }
0x64: {  	_ =	shalt  }
0x65: {  	_ =	shalt  }
0x66: {  	_ =	shalt  }
0x67: {  	_ =	shalt  }
0x68: {  	_ =	shalt  }
0x69: {  	_ =	shalt  }
0x6a: {  	_ =	shalt  }
0x6b: {  	_ =	shalt  }
0x6c: {  	_ =	shalt  }
0x6d: {  	_ =	shalt  }
0x6e: {  	_ =	shalt  }
0x6f: {  	_ =	shalt  }
0x70: {  	_ =	shalt  }
0x71: {  	_ =	shalt  }
0x72: {  	_ =	shalt  }
0x73: {  	_ =	shalt  }
0x74: {  	_ =	shalt  }
0x75: {  	_ =	shalt  }
0x76: {  	_ =	shalt  }
0x77: {  	_ =	shalt  }
0x78: {  	_ =	shalt  }
0x79: {  	_ =	shalt  }
0x7a: {  	_ =	shalt  }
0x7b: {  	_ =	shalt  }
0x7c: {  	_ =	shalt  }
0x7d: {  	_ =	shalt  }
0x7e: {  	_ =	shalt  }
0x7f: {  	_ =	shalt  }
0x80: {  	_ =	shalt  }
0x81: {  	_ =	shalt  }
0x82: {  	_ =	shalt  }
0x83: {  	_ =	shalt  }
0x84: {  	_ =	shalt  }
0x85: {  	_ =	shalt  }
0x86: {  	_ =	shalt  }
0x87: {  	_ =	shalt  }
.Lfunc_end0:
.L_simem_size_0:
called_computation.1_lowered:
.L_overlay_start_0:
0x88: {  	s2 =	sld [smem:$0x3FD9]  }
0x89: {  	s3 =	sld [smem:$0x3FFE];
	_ =	sdelay $0x1  }
0x8a: {  	s1 =	srdreg.scid  }
0x8b: {  	s0 =	sand.u32 $0x1, s1  }
0x8c: {  	s16 =	sshll.u32 s0, $0xA;
	s2 =	sadd.s32 s3, s2  }
0x8d: {  	s2 =	sadd.s32 s2, s16  }
0x8e: {  	[smem:$0x3FC5] =	sst s2  }
0x8f: {  	_ = 	snop  }
0x90: {  	(tm) =	ssettm $0x1  }
0x91: {  	s17 =	sld [smem:$0x3FFB];
	_ =	sdelay $0x3  }
0x92: {  	_ =	strace s17  }
0x93: {  	s2 =	sld [smem:$0x3FFC];
	_ =	sdelay $0x3  }
0x94: {  	_ =	strace s2  }
0x95: {  	s2 =	sld [smem:$0x3FFD];
	_ =	sdelay $0x3  }
0x96: {  	_ =	strace s2  }
0x97: {  	_ =	strace $0x8FFFFFFF  }
0x98: {  	s18 =	sld [smem:$0x3FDB];
	_ =	sdelay $0x1  }
0x99: {  	s19 =	simm.s32 $_scs_section_size  }
0x9a: {  	s4 =	simm.s32 $_size__tile_overlayer_lowered;
	s5 =	simm.s32 $_tile_overlayer_lowered  }
0x9b: {  	s22 =	simm.s32 $0x1BFF;
	s21 =	sshll.u32 s5, $0x1;
	s2 =	sadd.s32 s19, s18  }
0x9c: {  	s6 =	simm.s32 $0x0;
	s20 =	sshll.u32 s4, $0x1;
	s4 =	sadd.s32 s21, s2  }
0x9d: {  	[timem:s6], [sflag:s22] =	dma.local [hbm:s4], s20  }
0x9e: {  	_ =	swait.ge [sflag:s22], s20  }
0x9f: {  	s3 =	ssub.s32 $0x0, s20;
	[sflag:s22] =	ssyncset.done $0x0  }
0xa0: {  	[sflag:s22] =	ssyncadd.s32 s3;
	_ =	sdelay $0x1  }
0xa1: {  	s23 =	simm.s32 $0x1B8B  }
0xa2: {  	_ =	swait.ge [sflag:s23], $0x1  }
0xa3: {  	[sflag:s23] =	ssyncset.done $0x0  }
0xa4: {  	s25 =	simm.s32 $0x1B8E;
	s24 =	sld [smem:$0x3FFE];
	[sflag:s23] =	ssyncadd.s32 $0xFFFFFFFF  }
0xa5: {  	s26 =	simm.s32 $execute0_lowered;
	[smem:$0x3FD2] =	sst s25  }
0xa6: {  	s4 =	sshll.u32 s26, $0x1;
	_ =	strace $0x80000049;
	[dreg:$0x1] =	wrdreg $0xFFFFFFFF  }
0xa7: {  	s28 =	simm.s32 $_size_execute0_lowered;
	s2 =	sadd.s32 s2, s4;
	[dreg:$0x0] =	wrdreg $0x0  }
0xa8: {  	s4 =	sshll.u32 s28, $0x1;
	[dreg:$0x2] =	wrdreg s2  }
0xa9: {  	[dreg:$0x3] =	wrdreg s4  }
0xaa: {  	[dreg:$0x4] =	wrdreg $0xC0  }
0xab: {  	_ =	task [dreg:s6], $0x5FFFF  }
0xac: {  	[dreg:$0x1] =	wrdreg $0xFFFFFFFF  }
0xad: {  	[dreg:$0x0] =	wrdreg $0x60  }
0xae: {  	[dreg:$0x2] =	wrdreg s24  }
0xaf: {  	[dreg:$0x3] =	wrdreg $0x9  }
0xb0: {  	_ =	task.clear_ibuf [dreg:s6], $0x4FFFF;
	_ =	strace $0x90000049  }
0xb1: {  	s29 =	simm.s32 $0x9;
	_ =	strace $0x8000004B  }
0xb2: {  	_ =	swait.ge [sflag:s29], $0x1  }
0xb3: {  	[sflag:s29] =	ssyncadd.s32 $0xFFFFFFFF  }
0xb4: {  	_ =	strace $0x9000004B  }
0xb5: {  	_ =	sfence  }
0xb6: {  	s30 =	sld [smem:$0x0];
	_ =	sdelay $0x2  }
0xb7: {  	s31 =	sshll.u32 s1, $0xD;
	s1 =	sshrl.u32 s1, $0x2  }
0xb8: {  	s3 =	sand.u32 $0x4000, s31;
	s1 =	sadd.s32 s1, s30  }
0xb9: {  	s0 =	sor.u32 s3, s0;
	s1 =	sshll.u32 s1, $0x11  }
0xba: {  	s0 =	sor.u32 s1, s0  }
0xbb: {  	s0 =	sadd.s32 $0x8F2B, s0  }
0xbc: {  	[sflag:s0] =	ssyncadd.remote.s32 $0x1  }
0xbd: {  	_ =	sfence.sel $0xFFFF  }
0xbe: {  	[dreg:$0x0] =	wrdreg $0xFFFFFFFF;
	(pc) =	sbr.abs _section_cstart, $3  }
0xbf: {  	[dreg:$0x1] =	wrdreg $0xFFFFFFFF  }
0xc0: {  	_ =	task.clear_ibuf [dreg:s6], $0x2FFFF;
	_ =	strace $0x9FFFFFFF  }
0xc1: {  	(tm) =	ssettm $0x7FFFFFFF  }
tec
execute0_lowered:
.L_overlay_start_1:
0x0: {  	(tag) =	ssettag $0x1  }
0x1: {  	s0 =	rddreg [dreg:$0x0]  }
0x2: {  	s1 =	simm.s32 $0x0;
	s26 =	srdreg.scid;
	s10 =	stileid.u32  }
0x3: {  	s12 =	simm.s32 $0x80;
	s11 =	simm.s32 $0x1600;
	s13 =	simm.s32 $0x1E00  }
0x4: {  	s14 =	simm.s32 $0x1680;
	s15 =	simm.s32 $0x1E80;
	s16 =	simm.s32 $0x1700  }
0x5: {  	s17 =	simm.s32 $0x1F00;
	s18 =	simm.s32 $0x1780;
	s19 =	simm.s32 $0x1F80  }
0x6: {  	s20 =	simm.s32 $0x1;
	s21 =	simm.s32 $0x0;
	[smem:$0x7FF] =	sst s1  }
0x7: {  	s3 =	sadd.s32 $0x800, s0;
	s4 =	sadd.s32 $0xC20800, s0;
	s1 =	sand.u32 $0x1, s26  }
0x8: {  	s2 =	sshll.u32 s10, $0x1;
	s5 =	sadd.s32 $0xC00800, s0;
	s9 =	sshrl.u32 s10, $0x2  }
0x9: {  	s30 =	sshll.u32 s10, $0x10;
	s10 =	simm.s32 $0x2;
	_ =	strace $0x8000004A  }
0xa: {  	s2 =	sor.u32 s1, s2;
	s6 =	ssub.s32 $0x2, s1;
	s29 =	smul.u32 $0x17C0000, s9  }
0xb: {  	s1 =	sshll.u32 s1, $0xF;
	s7 =	sshll.u32 s2, $0x4;
	s8 =	sshrl.u32 s6, $0x1  }
0xc: {  	s9 =	simm.s32 $0x1D80;
	s0 =	sadd.s32 s7, s0;
	s28 =	ssub.s32 s6, s8  }
0xd: {  	s6 =	sshll.u32 s2, $0xF;
	s2 =	simm.s32 $0x1C80;
	s0 =	sadd.s32 $0xC40800, s0  }
0xe: {  	s31 =	smax.u32 s28, $0x1;
	[dreg:$0x2] =	wrdreg s0;
	s0 =	sadd.s32 s30, s29  }
0xf: {  	s7 =	simm.s32 $0x1D00;
	[dreg:$0x3] =	wrdreg s31;
	s0 =	sor.u32 s1, s0  }
0x10: {  	v0 =	vlaneseq.u32;
	s8 =	simm.s32 $0x1580;
	s1 =	simm.s32 $0x1500;
	[dreg:$0x4] =	wrdreg s0  }
.LBB2_1:
0x11: {  	[dreg:$0x5] =	wrdreg s21  }
0x12: {  	v1 =	vimm.f32 $0.0e+00;
	s21 =	rddreg [dreg:$0x4];
	s22 =	simm.s32 $0x0  }
.LBB2_2:
0x13: {  	s23 =	sshll.u32 s22, $0xB  }
0x14: {  	s23 =	sadd.s32 s6, s23  }
0x15: {  	s24 =	sshrl.u32 s23, $0x3  }
0x16: {  	s23 =	simm.s32 $0x0;
	s25 =	sadd.s32 s4, s24  }
0x17: {  	[tilespmem:s23], [sflag:$0x2] =	stream.linear.gather [hbm4b:s25+s23], $0x800, $0x38;
	[tilespmem:$0x2080] =	vst v63  }
0x18: {  	_ =	swait.ge [sflag:s10], $0x800  }
0x19: {  	[sflag:s10] =	ssyncset.done $0x0  }
0x1a: {  	s0 =	simm.s32 $0x800;
	s24 =	sadd.s32 s5, s24;
	[sflag:s10] =	ssyncadd.s32 $0xFFFFF800  }
0x1b: {  	[tilespmem:s0], [sflag:$0x2] =	stream.linear.gather [hbm4b:s24+s23], $0x800, $0x38;
	[tilespmem:$0x2080] =	vst v63  }
0x1c: {  	_ =	swait.ge [sflag:s10], $0x800  }
0x1d: {  	[sflag:s10] =	ssyncset.done $0x0  }
0x1e: {  	s24 =	simm.s32 $0x0;
	[sflag:s10] =	ssyncadd.s32 $0xFFFFF800  }
0x1f: {  	v2 =	vld [tilespmem:s24+$0x0];
	_ =	sdelay $0x3  }
0x20: {  	s31 =	sand.u32 $0x1E00, s23  }
0x21: {  	s26 =	sadd.s32 $0x0, s21;
	s25 =	sshrl.u32 s31, $0x2;
	v2 =	vshll.u32 v2, $0x12  }
0x22: {  	s28 =	sand.u32 $0x40, s23;
	s29 =	sor.u32 $0x1000, s25;
	v2 =	vadd.s32 s26, v2  }
0x23: {  	s25 =	sor.u32 s28, s29;
	v2 =	vadd.s32 v0, v2  }
0x24: {  	[tilespmem:s25+$0x0] =	vst v2  }
0x25: {  	v2 =	vld [tilespmem:s24+$0x10];
	_ =	sdelay $0x4  }
0x26: {  	s30 =	sadd.s32 $0x10, s26;
	s0 =	simm.s32 $0x10;
	v2 =	vshll.u32 v2, $0x12  }
0x27: {  	s25 =	sand.u32 $0x50, s0;
	v2 =	vadd.s32 s30, v2  }
0x28: {  	s25 =	sor.u32 s25, s29;
	v2 =	vadd.s32 v0, v2  }
0x29: {  	[tilespmem:s25+$0x0] =	vst v2  }
0x2a: {  	v2 =	vld [tilespmem:s24+$0x20];
	_ =	sdelay $0x4  }
0x2b: {  	s31 =	simm.s32 $0x20;
	s0 =	sadd.s32 $0x20, s26;
	v2 =	vshll.u32 v2, $0x12  }
0x2c: {  	s25 =	sand.u32 $0x60, s31;
	v2 =	vadd.s32 s0, v2  }
0x2d: {  	s25 =	sor.u32 s25, s29;
	v2 =	vadd.s32 v0, v2  }
0x2e: {  	[tilespmem:s25+$0x0] =	vst v2  }
0x2f: {  	v2 =	vld [tilespmem:s24+$0x30];
	_ =	sdelay $0x4  }
0x30: {  	s30 =	simm.s32 $0x30;
	s31 =	sadd.s32 $0x30, s26;
	v2 =	vshll.u32 v2, $0x12  }
0x31: {  	s24 =	sand.u32 $0x70, s30;
	v2 =	vadd.s32 s31, v2  }
0x32: {  	s25 =	simm.s32 $0x4;
	s26 =	sor.u32 s24, s29;
	s24 =	simm.s32 $0x100;
	v2 =	vadd.s32 v0, v2  }
.LBB2_3:
0x33: {  	s25 =	sadd.s32 $0x4, s25;
	s28 =	sshra.s32 s24, $0x2;
	[tilespmem:s26+$0x0] =	vst v2;
	s23 =	sadd.s32 $0x40, s23  }
0x34: {  	p0 =	slt.u32 s25, $0x7C;
	v2 =	vld [tilespmem:s28+$0x0];
	_ =	sdelay $0x3  }
0x35: {  	s26 =	sand.u32 $0x1E00, s24  }
0x36: {  	s29 =	sadd.s32 s23, s21;
	s26 =	sshrl.u32 s26, $0x2;
	v2 =	vshll.u32 v2, $0x12  }
0x37: {  	s30 =	sand.u32 $0x40, s23;
	s26 =	sor.u32 $0x1000, s26;
	v2 =	vadd.s32 s29, v2  }
0x38: {  	s30 =	sor.u32 s30, s26;
	v2 =	vadd.s32 v0, v2  }
0x39: {  	[tilespmem:s30+$0x0] =	vst v2  }
0x3a: {  	v2 =	vld [tilespmem:s28+$0x10];
	_ =	sdelay $0x4  }
0x3b: {  	s31 =	sadd.s32 $0x10, s29;
	s30 =	sadd.s32 $0x10, s23;
	v2 =	vshll.u32 v2, $0x12  }
0x3c: {  	s30 =	sand.u32 $0x50, s30;
	v2 =	vadd.s32 s31, v2  }
0x3d: {  	s30 =	sor.u32 s30, s26;
	v2 =	vadd.s32 v0, v2  }
0x3e: {  	[tilespmem:s30+$0x0] =	vst v2  }
0x3f: {  	v2 =	vld [tilespmem:s28+$0x20];
	_ =	sdelay $0x4  }
0x40: {  	s31 =	sadd.s32 $0x20, s29;
	s30 =	sadd.s32 $0x20, s23;
	v2 =	vshll.u32 v2, $0x12  }
0x41: {  	s30 =	sand.u32 $0x60, s30;
	v2 =	vadd.s32 s31, v2  }
0x42: {  	s30 =	sor.u32 s30, s26;
	v2 =	vadd.s32 v0, v2  }
0x43: {  	[tilespmem:s30+$0x0] =	vst v2  }
0x44: {  	v2 =	vld [tilespmem:s28+$0x30];
	_ =	sdelay $0x2  }
.Ltmp0:
0x45: {  	(pc) =	sbr.rel @p0 .LBB2_3-.Ltmp0, $4  }
0x46: {  	_ = 	snop  }
0x47: {  	s29 =	sadd.s32 $0x30, s29;
	s28 =	sadd.s32 $0x30, s23;
	v2 =	vshll.u32 v2, $0x12  }
0x48: {  	s28 =	sand.u32 $0x70, s28;
	v2 =	vadd.s32 s29, v2  }
0x49: {  	s24 =	sadd.s32 $0x100, s24;
	s26 =	sor.u32 s28, s26;
	v2 =	vadd.s32 v0, v2  }
0x4a: {  	s25 =	sshra.s32 s24, $0x2;
	[tilespmem:s26+$0x0] =	vst v2  }
0x4b: {  	v2 =	vld [tilespmem:s25+$0x0];
	_ =	sdelay $0x3  }
0x4c: {  	s23 =	sadd.s32 $0x40, s23;
	s26 =	sand.u32 $0x1E00, s24  }
0x4d: {  	s31 =	sadd.s32 s23, s21;
	s24 =	sshrl.u32 s26, $0x2;
	v2 =	vshll.u32 v2, $0x12  }
0x4e: {  	s28 =	sand.u32 $0x40, s23;
	s24 =	sor.u32 $0x1000, s24;
	v2 =	vadd.s32 s31, v2  }
0x4f: {  	s28 =	sor.u32 s28, s24;
	v2 =	vadd.s32 v0, v2  }
0x50: {  	[tilespmem:s28+$0x0] =	vst v2  }
0x51: {  	v2 =	vld [tilespmem:s25+$0x10];
	_ =	sdelay $0x4  }
0x52: {  	s29 =	sadd.s32 $0x10, s31;
	s28 =	sadd.s32 $0x10, s23;
	v2 =	vshll.u32 v2, $0x12  }
0x53: {  	s28 =	sand.u32 $0x50, s28;
	v2 =	vadd.s32 s29, v2  }
0x54: {  	s28 =	sor.u32 s28, s24;
	v2 =	vadd.s32 v0, v2  }
0x55: {  	[tilespmem:s28+$0x0] =	vst v2  }
0x56: {  	v2 =	vld [tilespmem:s25+$0x20];
	_ =	sdelay $0x4  }
0x57: {  	s29 =	sadd.s32 $0x20, s31;
	s28 =	sadd.s32 $0x20, s23;
	v2 =	vshll.u32 v2, $0x12  }
0x58: {  	s28 =	sand.u32 $0x60, s28;
	v2 =	vadd.s32 s29, v2  }
0x59: {  	s28 =	sor.u32 s28, s24;
	v2 =	vadd.s32 v0, v2  }
0x5a: {  	[tilespmem:s28+$0x0] =	vst v2  }
0x5b: {  	v2 =	vld [tilespmem:s25+$0x30];
	_ =	sdelay $0x4  }
0x5c: {  	s0 =	sadd.s32 $0x30, s31;
	s23 =	sadd.s32 $0x30, s23;
	v2 =	vshll.u32 v2, $0x12  }
0x5d: {  	s23 =	sand.u32 $0x70, s23;
	v2 =	vadd.s32 s0, v2  }
0x5e: {  	s23 =	sor.u32 s23, s24;
	v2 =	vadd.s32 v0, v2  }
0x5f: {  	s25 =	simm.s32 $0x1800;
	s0 =	simm.s32 $0x1000;
	[tilespmem:s23+$0x0] =	vst v2  }
0x60: {  	[tilespmem:s25], [sflag:$0x1] =	stream.indirect.gather [hbm4b:s3+s12], $0x1, s0, s12, $0xb8;
	[tilespmem:$0x2080] =	vst v63  }
0x61: {  	s26 =	simm.s32 $0x1080;
	s31 =	simm.s32 $0x1880  }
0x62: {  	[tilespmem:s31], [sflag:$0x1] =	stream.indirect.gather [hbm4b:s3+s12], $0x1, s26, s12, $0xb8;
	[tilespmem:$0x2080] =	vst v63  }
0x63: {  	s24 =	simm.s32 $0x1100;
	s25 =	simm.s32 $0x1900  }
0x64: {  	[tilespmem:s25], [sflag:$0x1] =	stream.indirect.gather [hbm4b:s3+s12], $0x1, s24, s12, $0xb8;
	[tilespmem:$0x2080] =	vst v63  }
0x65: {  	s26 =	simm.s32 $0x1180;
	s31 =	simm.s32 $0x1980  }
0x66: {  	[tilespmem:s31], [sflag:$0x1] =	stream.indirect.gather [hbm4b:s3+s12], $0x1, s26, s12, $0xb8;
	[tilespmem:$0x2080] =	vst v63  }
0x67: {  	s24 =	simm.s32 $0x1200;
	s25 =	simm.s32 $0x1A00  }
0x68: {  	[tilespmem:s25], [sflag:$0x1] =	stream.indirect.gather [hbm4b:s3+s12], $0x1, s24, s12, $0xb8;
	[tilespmem:$0x2080] =	vst v63  }
0x69: {  	s26 =	simm.s32 $0x1280;
	s31 =	simm.s32 $0x1A80  }
0x6a: {  	[tilespmem:s31], [sflag:$0x1] =	stream.indirect.gather [hbm4b:s3+s12], $0x1, s26, s12, $0xb8;
	[tilespmem:$0x2080] =	vst v63  }
0x6b: {  	s24 =	simm.s32 $0x1300;
	s25 =	simm.s32 $0x1B00  }
0x6c: {  	[tilespmem:s25], [sflag:$0x1] =	stream.indirect.gather [hbm4b:s3+s12], $0x1, s24, s12, $0xb8;
	[tilespmem:$0x2080] =	vst v63  }
0x6d: {  	s26 =	simm.s32 $0x1380;
	s31 =	simm.s32 $0x1B80  }
0x6e: {  	[tilespmem:s31], [sflag:$0x1] =	stream.indirect.gather [hbm4b:s3+s12], $0x1, s26, s12, $0xb8;
	[tilespmem:$0x2080] =	vst v63  }
0x6f: {  	s23 =	simm.s32 $0x1400;
	s24 =	simm.s32 $0x1C00  }
0x70: {  	[tilespmem:s24], [sflag:$0x1] =	stream.indirect.gather [hbm4b:s3+s12], $0x1, s23, s12, $0xb8;
	[tilespmem:$0x2080] =	vst v63  }
0x71: {  	s25 =	simm.s32 $0x1480  }
0x72: {  	[tilespmem:s2], [sflag:$0x1] =	stream.indirect.gather [hbm4b:s3+s12], $0x1, s25, s12, $0xb8;
	[tilespmem:$0x2080] =	vst v63  }
0x73: {  	_ = 	snop  }
0x74: {  	[tilespmem:s7], [sflag:$0x1] =	stream.indirect.gather [hbm4b:s3+s12], $0x1, s1, s12, $0xb8;
	[tilespmem:$0x2080] =	vst v63  }
0x75: {  	_ = 	snop  }
0x76: {  	[tilespmem:s9], [sflag:$0x1] =	stream.indirect.gather [hbm4b:s3+s12], $0x1, s8, s12, $0xb8;
	[tilespmem:$0x2080] =	vst v63  }
0x77: {  	_ = 	snop  }
0x78: {  	[tilespmem:s13], [sflag:$0x1] =	stream.indirect.gather [hbm4b:s3+s12], $0x1, s11, s12, $0xb8;
	[tilespmem:$0x2080] =	vst v63  }
0x79: {  	_ = 	snop  }
0x7a: {  	[tilespmem:s15], [sflag:$0x1] =	stream.indirect.gather [hbm4b:s3+s12], $0x1, s14, s12, $0xb8;
	[tilespmem:$0x2080] =	vst v63  }
0x7b: {  	_ = 	snop  }
0x7c: {  	[tilespmem:s17], [sflag:$0x1] =	stream.indirect.gather [hbm4b:s3+s12], $0x1, s16, s12, $0xb8;
	[tilespmem:$0x2080] =	vst v63  }
0x7d: {  	_ = 	snop  }
0x7e: {  	[tilespmem:s19], [sflag:$0x1] =	stream.indirect.gather [hbm4b:s3+s12], $0x1, s18, s12, $0xb8;
	[tilespmem:$0x2080] =	vst v63  }
0x7f: {  	_ =	swait.ge [sflag:s20], $0x80  }
0x80: {  	[sflag:s20] =	ssyncset.done $0x0  }
0x81: {  	[sflag:s20] =	ssyncadd.s32 $0xFFFFFF80  }
0x82: {  	_ =	swait.ge [sflag:s20], $0x80  }
0x83: {  	[sflag:s20] =	ssyncset.done $0x0  }
0x84: {  	[sflag:s20] =	ssyncadd.s32 $0xFFFFFF80  }
0x85: {  	_ =	swait.ge [sflag:s20], $0x80  }
0x86: {  	[sflag:s20] =	ssyncset.done $0x0  }
0x87: {  	[sflag:s20] =	ssyncadd.s32 $0xFFFFFF80  }
0x88: {  	_ =	swait.ge [sflag:s20], $0x80  }
0x89: {  	[sflag:s20] =	ssyncset.done $0x0  }
0x8a: {  	[sflag:s20] =	ssyncadd.s32 $0xFFFFFF80  }
0x8b: {  	_ =	swait.ge [sflag:s20], $0x80  }
0x8c: {  	[sflag:s20] =	ssyncset.done $0x0  }
0x8d: {  	[sflag:s20] =	ssyncadd.s32 $0xFFFFFF80  }
0x8e: {  	_ =	swait.ge [sflag:s20], $0x80  }
0x8f: {  	[sflag:s20] =	ssyncset.done $0x0  }
0x90: {  	[sflag:s20] =	ssyncadd.s32 $0xFFFFFF80  }
0x91: {  	_ =	swait.ge [sflag:s20], $0x80  }
0x92: {  	[sflag:s20] =	ssyncset.done $0x0  }
0x93: {  	[sflag:s20] =	ssyncadd.s32 $0xFFFFFF80  }
0x94: {  	_ =	swait.ge [sflag:s20], $0x80  }
0x95: {  	[sflag:s20] =	ssyncset.done $0x0  }
0x96: {  	[sflag:s20] =	ssyncadd.s32 $0xFFFFFF80  }
0x97: {  	_ =	swait.ge [sflag:s20], $0x80  }
0x98: {  	[sflag:s20] =	ssyncset.done $0x0  }
0x99: {  	[sflag:s20] =	ssyncadd.s32 $0xFFFFFF80  }
0x9a: {  	_ =	swait.ge [sflag:s20], $0x80  }
0x9b: {  	[sflag:s20] =	ssyncset.done $0x0  }
0x9c: {  	[sflag:s20] =	ssyncadd.s32 $0xFFFFFF80  }
0x9d: {  	_ =	swait.ge [sflag:s20], $0x80  }
0x9e: {  	[sflag:s20] =	ssyncset.done $0x0  }
0x9f: {  	[sflag:s20] =	ssyncadd.s32 $0xFFFFFF80  }
0xa0: {  	_ =	swait.ge [sflag:s20], $0x80  }
0xa1: {  	[sflag:s20] =	ssyncset.done $0x0  }
0xa2: {  	[sflag:s20] =	ssyncadd.s32 $0xFFFFFF80  }
0xa3: {  	_ =	swait.ge [sflag:s20], $0x80  }
0xa4: {  	[sflag:s20] =	ssyncset.done $0x0  }
0xa5: {  	[sflag:s20] =	ssyncadd.s32 $0xFFFFFF80  }
0xa6: {  	_ =	swait.ge [sflag:s20], $0x80  }
0xa7: {  	[sflag:s20] =	ssyncset.done $0x0  }
0xa8: {  	[sflag:s20] =	ssyncadd.s32 $0xFFFFFF80  }
0xa9: {  	_ =	swait.ge [sflag:s20], $0x80  }
0xaa: {  	[sflag:s20] =	ssyncset.done $0x0  }
0xab: {  	s26 =	simm.s32 $0x0;
	[sflag:s20] =	ssyncadd.s32 $0xFFFFFF80  }
0xac: {  	s31 =	simm.s32 $0x0;
	s23 =	sand.u32 $0x1E00, s26;
	_ =	swait.ge [sflag:s20], $0x80  }
0xad: {  	s24 =	sand.u32 $0x40, s31;
	s23 =	sshrl.u32 s23, $0x2;
	[sflag:s20] =	ssyncset.done $0x0  }
0xae: {  	s23 =	sor.u32 $0x1800, s23;
	s25 =	simm.s32 $0x0;
	[sflag:s20] =	ssyncadd.s32 $0xFFFFFF80  }
0xaf: {  	s0 =	simm.s32 $0x10;
	s24 =	sor.u32 s24, s23;
	v2 =	vld [tilespmem:s25+$0x800]  }
0xb0: {  	s31 =	sand.u32 $0x50, s0;
	v3 =	vld [tilespmem:s24+$0x0]  }
0xb1: {  	s0 =	simm.s32 $0x20;
	s24 =	sor.u32 s31, s23;
	v4 =	vld [tilespmem:s25+$0x810]  }
0xb2: {  	s26 =	sand.u32 $0x60, s0;
	v5 =	vld [tilespmem:s24+$0x0]  }
0xb3: {  	s28 =	simm.s32 $0x100;
	s31 =	simm.s32 $0x30;
	v6 =	vld [tilespmem:s25+$0x820];
	s24 =	sor.u32 s26, s23  }
0xb4: {  	s28 =	sand.u32 $0x1E00, s28;
	s26 =	sand.u32 $0x70, s31;
	v7 =	vld [tilespmem:s24+$0x0]  }
0xb5: {  	s28 =	sshrl.u32 s28, $0x2;
	s0 =	simm.s32 $0x40;
	v8 =	vld [tilespmem:s25+$0x830];
	s26 =	sor.u32 s26, s23;
	v3 =	vmul.f32 v2, v3  }
0xb6: {  	s31 =	sand.u32 $0x40, s0;
	s23 =	sor.u32 $0x1800, s28;
	s24 =	simm.s32 $0x40;
	v9 =	vld [tilespmem:s26+$0x0]  }
0xb7: {  	s0 =	simm.s32 $0x50;
	s25 =	sor.u32 s31, s23;
	v2 =	vld [tilespmem:s24+$0x800];
	v4 =	vmul.f32 v4, v5;
	v3 =	vadd.f32 v3, v1  }
0xb8: {  	s29 =	simm.s32 $0x60;
	s31 =	sand.u32 $0x50, s0;
	v5 =	vld [tilespmem:s25+$0x0]  }
0xb9: {  	s29 =	sand.u32 $0x60, s29;
	s28 =	simm.s32 $0x70;
	s26 =	sor.u32 s31, s23;
	v1 =	vld [tilespmem:s24+$0x810];
	v6 =	vmul.f32 v6, v7;
	v10 =	vadd.f32 v4, v3  }
0xba: {  	s30 =	sor.u32 s29, s23;
	s29 =	sand.u32 $0x70, s28;
	v4 =	vld [tilespmem:s26+$0x0]  }
0xbb: {  	s28 =	simm.s32 $0xB0;
	s25 =	simm.s32 $0x4;
	v7 =	vmul.f32 v8, v9;
	s26 =	simm.s32 $0x200;
	v3 =	vld [tilespmem:s24+$0x820];
	v6 =	vadd.f32 v6, v10  }
.LBB2_5:
0xbc: {  	s31 =	sadd.s32 $0xFFFFFFD0, s28;
	s0 =	sand.u32 $0x1E00, s26;
	s25 =	sadd.s32 $0x4, s25;
	v8 =	vld [tilespmem:s30+$0x0]  }
0xbd: {  	s29 =	sor.u32 s29, s23;
	s0 =	sshrl.u32 s0, $0x2;
	p0 =	slt.u32 s25, $0x7C;
	v5 =	vmul.f32 v2, v5;
	v9 =	vld [tilespmem:s24+$0x830];
	v6 =	vadd.f32 v7, v6  }
0xbe: {  	s30 =	sand.u32 $0x40, s31;
	s24 =	sshra.s32 s26, $0x2;
	s23 =	sor.u32 $0x1800, s0;
	v7 =	vld [tilespmem:s29+$0x0]  }
.Ltmp1:
0xbf: {  	s29 =	sadd.s32 $0xFFFFFFE0, s28;
	s0 =	sor.u32 s30, s23;
	v2 =	vld [tilespmem:s24+$0x800];
	v6 =	vadd.f32 v5, v6;
	v4 =	vmul.f32 v1, v4;
	(pc) =	sbr.rel @p0 .LBB2_5-.Ltmp1, $4  }
0xc0: {  	v5 =	vld [tilespmem:s0+$0x0];
	s0 =	sand.u32 $0x50, s29  }
0xc1: {  	s29 =	sadd.s32 $0xFFFFFFF0, s28;
	s0 =	sor.u32 s0, s23;
	v1 =	vld [tilespmem:s24+$0x810];
	v6 =	vadd.f32 v4, v6;
	v8 =	vmul.f32 v3, v8  }
0xc2: {  	s26 =	sadd.s32 $0x100, s26;
	v4 =	vld [tilespmem:s0+$0x0];
	s0 =	sand.u32 $0x60, s29  }
0xc3: {  	s29 =	sand.u32 $0x70, s28;
	s28 =	sadd.s32 $0x40, s28;
	s30 =	sor.u32 s0, s23;
	v3 =	vld [tilespmem:s24+$0x820];
	v6 =	vadd.f32 v8, v6;
	v7 =	vmul.f32 v9, v7  }
0xc4: {  	v8 =	vld [tilespmem:s30+$0x0]  }
0xc5: {  	s0 =	sor.u32 s29, s23;
	v62 =	vld [tilespmem:s24+$0x830];
	v2 =	vmul.f32 v2, v5;
	v6 =	vadd.f32 v7, v6  }
0xc6: {  	v63 =	vld [tilespmem:s0+$0x0]  }
0xc7: {  	s22 =	sadd.s32 $0x1, s22;
	v2 =	vadd.f32 v2, v6;
	v1 =	vmul.f32 v1, v4  }
0xc8: {  	p0 =	sne.s32 s22, $0x10  }
.Ltmp2:
0xc9: {  	v1 =	vadd.f32 v1, v2;
	v2 =	vmul.f32 v3, v8;
	(pc) =	sbr.rel @p0 .LBB2_2-.Ltmp2, $3  }
0xca: {  	_ = 	snop  }
0xcb: {  	v1 =	vadd.f32 v2, v1;
	v2 =	vmul.f32 v62, v63;
	_ =	sdelay $0x1  }
0xcc: {  	s21 =	sadd.s32 $0x800, s21;
	v1 =	vadd.f32 v2, v1  }
0xcd: {  	_ = 	snop  }
0xce: {  	s0 =	simm.s32 $0x0;
	s21 =	rddreg [dreg:$0x2];
	s22 =	simm.s32 $0x2000;
	[tilespmem:$0x2000] =	vst v1  }
0xcf: {  	[hbm4b:s21+s0] =	stream.linear.scatter [tilespmem:s22], [sflag:$0x2], $0x80, $0x38;
	[tilespmem:$0x2080] =	vst v63  }
0xd0: {  	_ =	swait.ge [sflag:s10], $0x80  }
0xd1: {  	s30 =	rddreg [dreg:$0x5]  }
0xd2: {  	s31 =	rddreg [dreg:$0x3];
	s21 =	sadd.s32 $0x1, s30  }
0xd3: {  	p0 =	sne.s32 s21, s31  }
.Ltmp3:
0xd4: {  	_ = 	snop;
	(pc) =	sbr.rel @p0 .LBB2_1-.Ltmp3, $3  }
0xd5: {  	_ =	sdelay $0x1  }
0xd6: {  	[sflag:s10] =	ssyncset.done $0x0  }
0xd7: {  	[sflag:s10] =	ssyncadd.s32 $0xFFFFFF80  }
0xd8: {  	_ =	sfence.sel $0x180000  }
0xd9: {  	[bflag:$0x0] =	sbarrier.arrive $0xFFFF  }
0xda: {  	_ =	strace $0x9000004A  }
0xdb: {  	s0 =	stileid.u32;
	[bflag:$0x2] =	sbarrier.arrive $0xFFFF  }
0xdc: {  	p0 =	sne.s32 s0, $0x0;
	s0 =	rddreg [dreg:$0x1]  }
0xdd: {  	s0 =	sadd.s32 @!p0 $0x100000, s0  }
0xde: {  	[sflag:s0] =	ssyncadd.tile.s32 @!p0 $0x1;
	_ =	shalt  }
.Lfunc_end2:
_tile_overlayer_lowered:
.L_overlay_start_2:
0xdf: {  	(tag) =	ssettag $0x2  }
0xe0: {  	s0 =	rddreg [dreg:$0x0];
	s2 =	stileid.u32  }
0xe1: {  	s1 =	rddreg [dreg:$0x1];
	p0 =	sne.s32 s2, $0x0  }
0xe2: {  	s3 =	rddreg [dreg:$0x2];
	[bflag:$0x3] =	sbarrier.arrive $0xFFFF;
	s2 =	simm.s32 @!p0 $0x1C02  }
0xe3: {  	[timem:s3], [sflag:s2] =	dma.local @!p0 [hbm:s0], s1  }
0xe4: {  	s0 =	simm.s32 @!p0 $0x2  }
0xe5: {  	_ =	swait.ge @!p0 [sflag:s0], s1  }
0xe6: {  	s1 =	ssub.s32 @!p0 $0x0, s1;
	[sflag:s0] =	ssyncset.done @!p0 $0x0  }
0xe7: {  	[sflag:s0] =	ssyncadd.s32 @!p0 s1  }
0xe8: {  	[bflag:$0x3] =	sbarrier.arrive $0xFFFF  }
0xe9: {  	_ =	shalt  }

// kernel: sparse-core-data-format-call.cloned.1.call-start
scs
called_computation_lowered:
.L_overlay_start_0:
0x0: {  	s2 =	sld [smem:$0x3FD9]  }
0x1: {  	s3 =	sld [smem:$0x3FFE];
	_ =	sdelay $0x1  }
0x2: {  	s1 =	srdreg.scid  }
0x3: {  	s0 =	sand.u32 $0x1, s1  }
0x4: {  	s18 =	sshll.u32 s0, $0xA;
	s2 =	sadd.s32 s3, s2  }
0x5: {  	s2 =	sadd.s32 s2, s18  }
0x6: {  	[smem:$0x3FC5] =	sst s2  }
0x7: {  	_ = 	snop  }
0x8: {  	s2 =	sld [smem:$0x3FC9];
	(tm) =	ssettm $0x1  }
0x9: {  	s19 =	sld [smem:$0x3FFB];
	_ =	sdelay $0x3  }
0xa: {  	_ =	strace s19  }
0xb: {  	s3 =	sld [smem:$0x3FFC];
	_ =	sdelay $0x3  }
0xc: {  	_ =	strace s3  }
0xd: {  	s3 =	sld [smem:$0x3FFD];
	_ =	sdelay $0x3  }
0xe: {  	_ =	strace s3  }
0xf: {  	_ =	strace $0x8FFFFFFF  }
0x10: {  	s20 =	sld [smem:$0x3FDB];
	_ =	sdelay $0x1  }
0x11: {  	s4 =	simm.s32 $_scs_section_size  }
0x12: {  	s5 =	simm.s32 $_size__tile_overlayer_lowered;
	s6 =	simm.s32 $_tile_overlayer_lowered  }
0x13: {  	s23 =	simm.s32 $0x1BFF;
	s22 =	sshll.u32 s6, $0x1;
	s3 =	sadd.s32 s4, s20  }
0x14: {  	s7 =	simm.s32 $0x0;
	s21 =	sshll.u32 s5, $0x1;
	s5 =	sadd.s32 s22, s3  }
0x15: {  	[timem:s7], [sflag:s23] =	dma.local [hbm:s5], s21  }
0x16: {  	_ =	swait.ge [sflag:s23], s21  }
0x17: {  	s4 =	ssub.s32 $0x0, s21;
	[sflag:s23] =	ssyncset.done $0x0  }
0x18: {  	[sflag:s23] =	ssyncadd.s32 s4;
	_ =	sdelay $0x1  }
0x19: {  	s24 =	simm.s32 $0x1B8B  }
0x1a: {  	_ =	swait.ge [sflag:s24], $0x1  }
0x1b: {  	[sflag:s24] =	ssyncset.done $0x0  }
0x1c: {  	s26 =	simm.s32 $0x1B8E;
	s25 =	sld [smem:$0x3FFE];
	[sflag:s24] =	ssyncadd.s32 $0xFFFFFFFF  }
0x1d: {  	s27 =	simm.s32 $execute0_lowered;
	[smem:$0x3FD2] =	sst s26  }
0x1e: {  	s5 =	sshll.u32 s27, $0x1;
	_ =	strace $0x80000046;
	[dreg:$0x1] =	wrdreg $0xFFFFFFFF  }
0x1f: {  	s28 =	simm.s32 $_size_execute0_lowered;
	s3 =	sadd.s32 s3, s5;
	[dreg:$0x0] =	wrdreg $0x0  }
0x20: {  	s5 =	sshll.u32 s28, $0x1;
	[dreg:$0x2] =	wrdreg s3  }
0x21: {  	[dreg:$0x3] =	wrdreg s5  }
0x22: {  	[dreg:$0x4] =	wrdreg $0xC0  }
0x23: {  	_ =	task [dreg:s7], $0x5FFFF  }
0x24: {  	[dreg:$0x1] =	wrdreg $0xFFFFFFFF  }
0x25: {  	[dreg:$0x0] =	wrdreg $0x60  }
0x26: {  	[dreg:$0x2] =	wrdreg s2  }
0x27: {  	[dreg:$0x3] =	wrdreg s25  }
0x28: {  	[dreg:$0x4] =	wrdreg $0x9  }
0x29: {  	_ =	task.clear_ibuf [dreg:s7], $0x5FFFF;
	_ =	strace $0x90000046  }
0x2a: {  	s29 =	simm.s32 $0x9;
	_ =	strace $0x80000048  }
0x2b: {  	_ =	swait.ge [sflag:s29], $0x1  }
0x2c: {  	[sflag:s29] =	ssyncadd.s32 $0xFFFFFFFF  }
0x2d: {  	_ =	strace $0x90000048  }
0x2e: {  	_ =	sfence  }
0x2f: {  	s30 =	sld [smem:$0x0];
	_ =	sdelay $0x2  }
0x30: {  	s31 =	sshll.u32 s1, $0xD;
	s1 =	sshrl.u32 s1, $0x2  }
0x31: {  	s3 =	sand.u32 $0x4000, s31;
	s1 =	sadd.s32 s1, s30  }
0x32: {  	s0 =	sor.u32 s3, s0;
	s1 =	sshll.u32 s1, $0x11  }
0x33: {  	s0 =	sor.u32 s1, s0  }
0x34: {  	s0 =	sadd.s32 $0x8F2B, s0  }
0x35: {  	[sflag:s0] =	ssyncadd.remote.s32 $0x1  }
0x36: {  	_ =	sfence.sel $0xFFFF  }
0x37: {  	[dreg:$0x0] =	wrdreg $0xFFFFFFFF;
	(pc) =	sbr.abs _section_cstart, $3  }
0x38: {  	[dreg:$0x1] =	wrdreg $0xFFFFFFFF  }
0x39: {  	_ =	task.clear_ibuf [dreg:s7], $0x2FFFF;
	_ =	strace $0x9FFFFFFF  }
0x3a: {  	(tm) =	ssettm $0x7FFFFFFF  }
0x3b: {  	_ =	shalt  }
tec
execute0_lowered:
.L_overlay_start_1:
0x0: {  	(tag) =	ssettag $0x1  }
0x1: {  	s0 =	srdreg.scid  }
0x2: {  	s1 =	sshll.u32 s0, $0x4  }
0x3: {  	s2 =	rddreg [dreg:$0x0];
	s0 =	stileid.u32;
	s1 =	sand.u32 $0x10, s1  }
0x4: {  	s4 =	rddreg [dreg:$0x1];
	s7 =	simm.s32 $0x1;
	s1 =	sor.u32 s0, s1  }
0x5: {  	s8 =	simm.s32 $0x2;
	s9 =	simm.s32 $0x0;
	s3 =	sshll.u32 s1, $0x2  }
0x6: {  	s12 =	simm.s32 $0x0;
	s11 =	simm.s32 $0x0;
	s6 =	ssub.s32 $0x6000, s3  }
.Ltmp0:
0x7: {  	s4 =	sadd.s32 $0x800, s4;
	s5 =	sand.u32 $0x7C, s6;
	(pc) =	sbr.rel .LBB1_1-.Ltmp0, $4  }
0x8: {  	s1 =	rddreg [dreg:$0x2];
	_ =	strace $0x80000047;
	p0 =	sne.s32 s5, $0x0  }
0x9: {  	s6 =	sshrl.u32 s6, $0x7;
	s5 =	simm.s32 $0x1;
	s7 =	simm.s32 @!p0 $0x0  }
0xa: {  	s10 =	smov.u32 s3;
	[sflag:s5] =	ssyncpa.u1 $0x0;
	s6 =	sadd.s32 s7, s6  }
0xb: {  	[sflag:s8] =	ssyncpa.u1 $0x0;
	s8 =	simm.s32 $0x0;
	s7 =	sadd.s32 $0x1, s6  }
.LBB1_9:
0xc: {  	s14 =	sadd.s32 $0x80, s10  }
0xd: {  	p1 =	sgt.s32 s14, $0x5FFF  }
0xe: {  	s14 =	smov.u32 @p1 s3;
	p1 =	sne.s32 s11, s7  }
.Ltmp1:
0xf: {  	p0 =	slt.u32 s11, $0x2;
	(pc) =	sbr.rel @!p1 .LBB1_10-.Ltmp1, $4  }
0x10: {  	s13 =	simm.s32 @!p0 $0x2  }
0x11: {  	s15 =	sadd.s32 $0x1, s11;
	_ =	swait.ge @!p0 [sflag:s13], $0x4000  }
0x12: {  	s12 =	smov.u32 s10;
	s9 =	sadd.s32 $0x4000, s9;
	[sflag:s13] =	ssyncset.done @!p0 $0x0  }
0x13: {  	s11 =	smov.u32 s15;
	s10 =	smov.u32 s14;
	[sflag:s13] =	ssyncadd.s32 @!p0 $0xFFFFC000  }
.LBB1_1:
0x14: {  	p0 =	sge.u32 s11, s6  }
0x15: {  	s13 =	sxor.u32 @!p0 $0xFFFFFFFF, s11  }
0x16: {  	s31 =	sadd.s32 $0xFFFFFFFF, s11;
	s14 =	sshll.u32 @!p0 s10, $0x9;
	s13 =	sshll.u32 @!p0 s13, $0xE  }
0x17: {  	s15 =	simm.s32 @!p0 $0x0;
	s14 =	sadd.s32 @!p0 s2, s14;
	s13 =	sand.u32 @!p0 $0x4000, s13  }
0x18: {  	[tilespmem:s13], [sflag:$0x1] =	stream.linear.gather @!p0 [hbm4b:s14+s15], $0x4000, $0x38;
	[tilespmem:$0x10000] =	vst v63  }
0x19: {  	p0 =	sge.u32 s31, s6  }
.Ltmp2:
0x1a: {  	_ = 	snop;
	(pc) =	sbr.rel @p0 .LBB1_9-.Ltmp2, $1  }
0x1b: {  	_ =	sdelay $0x3  }
0x1c: {  	s14 =	sand.u32 $0x4000, s9  }
0x1d: {  	_ =	swait.ge [sflag:s5], $0x4000;
	s15 =	sshll.u32 s11, $0xE;
	s16 =	simm.s32 $0x0  }
0x1e: {  	s13 =	sor.u32 $0x40, s14;
	[sflag:s5] =	ssyncset.done $0x0;
	s15 =	sand.u32 $0x4000, s15  }
0x1f: {  	s14 =	sor.u32 $0x8040, s14;
	[sflag:s5] =	ssyncadd.s32 $0xFFFFC000;
	s15 =	sor.u32 $0x8000, s15  }
.LBB1_3:
0x20: {  	s17 =	smov.u32 s14;
	s18 =	smov.u32 s13;
	s19 =	simm.s32 $0x0  }
.LBB1_4:
0x21: {  	v0 =	vmov s17;
	v2 =	vld [tilespmem:s18+$0x30]  }
0x22: {  	v4 =	vld [tilespmem:s18+$0xFFFFFFD0]  }
0x23: {  	v6 =	vld [tilespmem:s18+$0xFFFFFFE0]  }
0x24: {  	v7 =	vld [tilespmem:s18+$0xFFFFFFF0]  }
0x25: {  	s20 =	simm.s32 $0x0;
	v1 =	vld [tilespmem:s18+$0x0]  }
0x26: {  	v3 =	vld [tilespmem:s18+$0x10];
	[tilespmem:v0+s20+$0x30 ss:$0x1] =	vst.idx.msk $0xffff, v2  }
0x27: {  	v5 =	vld [tilespmem:s18+$0x20];
	[tilespmem:v0+s20+$0xFFFFFFD0 ss:$0x1] =	vst.idx.msk $0xffff, v4  }
0x28: {  	s21 =	sadd.s32 $0x80, s18;
	v2 =	vld [tilespmem:s18+$0xFFFFFFC0];
	[tilespmem:v0+s20+$0xFFFFFFE0 ss:$0x1] =	vst.idx.msk $0xffff, v6  }
0x29: {  	s22 =	simm.s32 $0x800;
	s23 =	simm.s32 $0x1000;
	v4 =	vld [tilespmem:s21+$0x30];
	[tilespmem:v0+s20+$0xFFFFFFF0 ss:$0x1] =	vst.idx.msk $0xffff, v7  }
.LBB1_5:
0x2a: {  	p0 =	sne.s32 s23, $0x3800;
	v6 =	vld [tilespmem:s21+$0xFFFFFFD0];
	[tilespmem:v0+s20+$0x0 ss:$0x1] =	vst.idx.msk $0xffff, v1  }
0x2b: {  	v7 =	vld [tilespmem:s21+$0xFFFFFFE0];
	[tilespmem:v0+s20+$0x10 ss:$0x1] =	vst.idx.msk $0xffff, v3  }
0x2c: {  	v8 =	vld [tilespmem:s21+$0xFFFFFFF0];
	[tilespmem:v0+s20+$0x20 ss:$0x1] =	vst.idx.msk $0xffff, v5  }
.Ltmp3:
0x2d: {  	v1 =	vld [tilespmem:s21+$0x0];
	[tilespmem:v0+s20+$0xFFFFFFC0 ss:$0x1] =	vst.idx.msk $0xffff, v2;
	s20 =	sshra.s32 s22, $0x2;
	s22 =	smov.u32 s23;
	(pc) =	sbr.rel @p0 .LBB1_5-.Ltmp3, $4  }
0x2e: {  	v3 =	vld [tilespmem:s21+$0x10];
	[tilespmem:v0+s20+$0x30 ss:$0x1] =	vst.idx.msk $0xffff, v4  }
0x2f: {  	[tilespmem:v0+s20+$0xFFFFFFD0 ss:$0x1] =	vst.idx.msk $0xffff, v6;
	v5 =	vld [tilespmem:s21+$0x20]  }
0x30: {  	v2 =	vld [tilespmem:s21+$0xFFFFFFC0];
	[tilespmem:v0+s20+$0xFFFFFFE0 ss:$0x1] =	vst.idx.msk $0xffff, v7;
	s21 =	sadd.s32 $0x80, s21  }
0x31: {  	s23 =	sadd.s32 $0x800, s23;
	v4 =	vld [tilespmem:s21+$0x30];
	[tilespmem:v0+s20+$0xFFFFFFF0 ss:$0x1] =	vst.idx.msk $0xffff, v8  }
0x32: {  	_ =	sdelay $0x3  }
0x33: {  	v6 =	vld [tilespmem:s21+$0xFFFFFFD0];
	[tilespmem:v0+s20+$0x0 ss:$0x1] =	vst.idx.msk $0xffff, v1  }
0x34: {  	v58 =	vld [tilespmem:s21+$0xFFFFFFE0];
	[tilespmem:v0+s20+$0x10 ss:$0x1] =	vst.idx.msk $0xffff, v3  }
0x35: {  	v59 =	vld [tilespmem:s21+$0xFFFFFFF0];
	[tilespmem:v0+s20+$0x20 ss:$0x1] =	vst.idx.msk $0xffff, v5  }
0x36: {  	s22 =	sshra.s32 s22, $0x2;
	v60 =	vld [tilespmem:s21+$0x0];
	[tilespmem:v0+s20+$0xFFFFFFC0 ss:$0x1] =	vst.idx.msk $0xffff, v2  }
0x37: {  	v61 =	vld [tilespmem:s21+$0x10];
	[tilespmem:v0+s22+$0x30 ss:$0x1] =	vst.idx.msk $0xffff, v4  }
0x38: {  	v62 =	vld [tilespmem:s21+$0x20];
	s19 =	sadd.s32 $0x1, s19;
	[tilespmem:v0+s22+$0xFFFFFFD0 ss:$0x1] =	vst.idx.msk $0xffff, v6  }
0x39: {  	v63 =	vld [tilespmem:s21+$0xFFFFFFC0];
	p0 =	sne.s32 s19, $0x4;
	[tilespmem:v0+s22+$0xFFFFFFE0 ss:$0x1] =	vst.idx.msk $0xffff, v58  }
.Ltmp4:
0x3a: {  	[tilespmem:v0+s22+$0xFFFFFFF0 ss:$0x1] =	vst.idx.msk $0xffff, v59;
	(pc) =	sbr.rel @p0 .LBB1_4-.Ltmp4, $4  }
0x3b: {  	[tilespmem:v0+s22+$0x0 ss:$0x1] =	vst.idx.msk $0xffff, v60  }
0x3c: {  	[tilespmem:v0+s22+$0x10 ss:$0x1] =	vst.idx.msk $0xffff, v61  }
0x3d: {  	[tilespmem:v0+s22+$0x20 ss:$0x1] =	vst.idx.msk $0xffff, v62  }
0x3e: {  	s18 =	sadd.s32 $0x400, s18;
	s17 =	sadd.s32 $0x80, s17;
	[tilespmem:v0+s22+$0xFFFFFFC0 ss:$0x1] =	vst.idx.msk $0xffff, v63  }
0x3f: {  	s16 =	sadd.s32 $0x1, s16  }
0x40: {  	p0 =	sne.s32 s16, $0x4  }
.Ltmp5:
0x41: {  	_ = 	snop;
	(pc) =	sbr.rel @p0 .LBB1_3-.Ltmp5, $2  }
0x42: {  	_ =	sdelay $0x2  }
0x43: {  	s13 =	sadd.s32 $0x1000, s13;
	s14 =	sadd.s32 $0x1000, s14  }
.Ltmp6:
0x44: {  	(pc) =	sbr.rel .LBB1_9-.Ltmp6, $4  }
0x45: {  	_ = 	snop  }
0x46: {  	s12 =	sshll.u32 s12, $0x9  }
0x47: {  	s12 =	sadd.s32 s4, s12  }
0x48: {  	[hbm4b:s12+s8] =	stream.linear.scatter [tilespmem:s15], [sflag:$0x2], $0x4000, $0x38;
	[tilespmem:$0x10000] =	vst v63  }
.LBB1_10:
0x49: {  	_ =	sfence.sel $0x180000  }
0x4a: {  	s2 =	simm.s32 $0x1;
	[bflag:$0x0] =	sbarrier.arrive $0xFFFF  }
0x4b: {  	s31 =	simm.s32 $0x2;
	[sflag:s2] =	ssyncpa.u1 $0x1  }
0x4c: {  	[sflag:s31] =	ssyncpa.u1 $0x1  }
0x4d: {  	p0 =	sne.s32 s0, $0x0;
	_ =	strace $0x90000047  }
0x4e: {  	s0 =	sadd.s32 @!p0 $0x100000, s1;
	[bflag:$0x2] =	sbarrier.arrive $0xFFFF  }
0x4f: {  	[sflag:s0] =	ssyncadd.tile.s32 @!p0 $0x1;
	_ =	shalt  }
.Lfunc_end1:
_tile_overlayer_lowered:
.L_overlay_start_2:
0x50: {  	(tag) =	ssettag $0x2  }
0x51: {  	s0 =	rddreg [dreg:$0x0];
	s2 =	stileid.u32  }
0x52: {  	s1 =	rddreg [dreg:$0x1];
	p0 =	sne.s32 s2, $0x0  }
0x53: {  	s3 =	rddreg [dreg:$0x2];
	[bflag:$0x3] =	sbarrier.arrive $0xFFFF;
	s2 =	simm.s32 @!p0 $0x1C01  }
0x54: {  	[timem:s3], [sflag:s2] =	dma.local @!p0 [hbm:s0], s1  }
0x55: {  	s0 =	simm.s32 @!p0 $0x1  }
0x56: {  	_ =	swait.ge @!p0 [sflag:s0], s1  }
0x57: {  	s1 =	ssub.s32 @!p0 $0x0, s1;
	[sflag:s0] =	ssyncset.done @!p0 $0x0  }
0x58: {  	[sflag:s0] =	ssyncadd.s32 @!p0 s1  }
0x59: {  	[bflag:$0x3] =	sbarrier.arrive $0xFFFF  }
0x5a: {  	_ =	shalt  }

</sc_bundles>
